<compile_context>
chip_gen: v7x
topology: tpu7x:2x2x1
jax: 0.10.2.dev20260603
libtpu: 0.0.44.dev20260713+nightly
codegen_flags: <defaults>
</compile_context>

<pallas_src>
import functools

import jax
import jax.numpy as jnp
from jax import lax
from jax.experimental import pallas as pl
from jax.experimental.pallas import tpu as pltpu
from jax.experimental.pallas import tpu_sc as plsc

B = 16384
D = 32
L = 16
NW = 32
BPW = B // NW
IC = 128
NIC = BPW // IC
W = 128
CHUNK = 8
NCHUNK = BPW // CHUNK


def _gather_body(article_hbm, at_hbm, out_hbm, aidx_v, rows_v, sem):
    wid = lax.axis_index("s") * 2 + lax.axis_index("c")
    pltpu.sync_copy(article_hbm.at[wid], aidx_v)
    copies = []
    for j in range(NIC):
        copies.append(pltpu.async_copy(
            at_hbm.at[aidx_v.at[j]], rows_v.at[pl.ds(j * IC, IC)], sem))
    for cp in copies:
        cp.wait()
    pltpu.sync_copy(rows_v, out_hbm.at[pl.ds(wid * BPW, BPW)])


def _dot_body(user_hbm, ct_hbm, arows_hbm, out_hbm,
              uidx_v, arow_v, cwin_v, out_v, sem):
    wid = lax.axis_index("s") * 2 + lax.axis_index("c")
    base = wid * BPW

    pltpu.sync_copy(user_hbm.at[pl.ds(base, BPW)], uidx_v.at[pl.ds(0, BPW)])
    pltpu.sync_copy(arows_hbm.at[pl.ds(base * D, BPW * D)], arow_v)

    lanes = lax.iota(jnp.int32, L)

    def chunk_body(c, acc):
        cbase = c * CHUNK
        uvec = uidx_v[pl.ds(cbase, L)]
        copies = []
        for j in range(CHUNK):
            ub = pl.multiple_of((uvec[j] // W) * W, W)
            copies.append(pltpu.async_copy(
                ct_hbm.at[:, pl.ds(ub, W)], cwin_v.at[j], sem))
        for cp in copies:
            cp.wait()

        half = (c & 1) * CHUNK
        for j in range(CHUNK):
            cu = uvec[j] % W
            jv = jnp.full((L,), j, jnp.int32)
            c0 = plsc.load_gather(
                cwin_v, [jv, lanes, jnp.full((L,), cu, jnp.int32)])
            c1 = plsc.load_gather(
                cwin_v, [jv, lanes + L, jnp.full((L,), cu, jnp.int32)])
            a0 = arow_v[pl.ds((cbase + j) * D, L)]
            a1 = arow_v[pl.ds((cbase + j) * D + L, L)]
            q = c0 * a0 + c1 * a1
            acc = jnp.where(lanes == half + j, jnp.sum(q), acc)

        @pl.when((c & 1) == 1)
        def _():
            out_v[pl.ds((c >> 1) * L, L)] = acc

        return acc

    lax.fori_loop(0, NCHUNK, chunk_body, jnp.zeros((L,), jnp.float32))

    pltpu.sync_copy(out_v, out_hbm.at[pl.ds(base, BPW)])


def kernel(user, article, customer_embed, articles_embed):
    mesh = plsc.VectorSubcoreMesh(core_axis_name="c", subcore_axis_name="s")
    gather = functools.partial(
        pl.kernel,
        mesh=mesh,
        out_type=jax.ShapeDtypeStruct((B, D), jnp.float32),
        scratch_types=[
            pltpu.VMEM((NIC, IC), jnp.int32),
            pltpu.VMEM((BPW, D), jnp.float32),
            pltpu.SemaphoreType.DMA,
        ],
        compiler_params=pltpu.CompilerParams(
            needs_layout_passes=False, use_tc_tiling_on_sc=False),
    )(_gather_body)
    art_rows = gather(article.reshape(NW, NIC, IC), articles_embed)

    dot = functools.partial(
        pl.kernel,
        mesh=mesh,
        out_type=jax.ShapeDtypeStruct((B,), jnp.float32),
        scratch_types=[
            pltpu.VMEM((BPW + L,), jnp.int32),
            pltpu.VMEM((BPW * D,), jnp.float32),
            pltpu.VMEM((CHUNK, D, W), jnp.float32),
            pltpu.VMEM((BPW,), jnp.float32),
            pltpu.SemaphoreType.DMA,
        ],
        compiler_params=pltpu.CompilerParams(
            needs_layout_passes=False, use_tc_tiling_on_sc=True),
    )(_dot_body)
    return dot(user, customer_embed.T, art_rows.reshape(B * D))

# --- scband reference (transcript-rebuilt; emitter-appended) ---
"""Pipeline reference for scband-simple-recommender-25400436588814 (READ-ONLY COPY).

The authoritative reference and input builder live on the scoring server;
editing this copy changes nothing except your own understanding.
"""

import jax, jax.numpy as jnp
import numpy as np

NUM_CUSTOMERS = 1000000
NUM_ARTICLES = 100000
EMBED_DIM = 32
BATCH = 16384


def setup_inputs(seed: int = 0) -> dict:
    key = jax.random.key(seed)
    k1, k2, k3, k4 = jax.random.split(key, 4)
    user = jax.random.randint(k1, (BATCH,), 0, NUM_CUSTOMERS, dtype=jnp.int32)
    article = jax.random.randint(k2, (BATCH,), 0, NUM_ARTICLES, dtype=jnp.int32)
    # Learned parameters: embedding tables (hash-table ID->index mapping is
    # assumed already applied, i.e. indices are table rows).
    customer_embed = jax.random.normal(k3, (NUM_CUSTOMERS, EMBED_DIM), dtype=jnp.float32) * 0.05
    articles_embed = jax.random.normal(k4, (NUM_ARTICLES, EMBED_DIM), dtype=jnp.float32) * 0.05
    return {
        "user": user,
        "article": article,
        "customer_embed": customer_embed,
        "articles_embed": articles_embed,
    }


def reference(user, article, customer_embed, articles_embed):
    # customer_table.lookup / article_table.lookup -> precomputed int indices
    customer_embedding_values = jnp.take(customer_embed, user, axis=0)   # [B, D]
    article_embedding_values = jnp.take(articles_embed, article, axis=0) # [B, D]
    # tf.keras.layers.Dot(axes=-1) followed by tf.squeeze(..., 1)
    scores = jnp.sum(customer_embedding_values * article_embedding_values, axis=-1)  # [B]
    return scores

if __name__ == "__main__":
    import jax
    _d = setup_inputs()
    print(jax.jit(kernel)(*tuple(_d.values())))

</pallas_src>

<mosaic_0001>
#map = affine_map<(d0, d1) -> (0, 0, 0)>
#map1 = affine_map<(d0, d1) -> (0, 0)>
module attributes {stable_mosaic.version = 14 : i64} {
  func.func @_gather_body(%arg0: i32, %arg1: i32, %arg2: memref<32x4x128xi32, #tpu.memory_space<hbm>>, %arg3: memref<100000x32xf32, #tpu.memory_space<hbm>>, %arg4: memref<16384x32xf32, #tpu.memory_space<hbm>>, %arg5: memref<4x128xi32, #tpu.memory_space<vmem>>, %arg6: memref<512x32xf32, #tpu.memory_space<vmem>>, %arg7: memref<!tpu.dma_semaphore, #tpu.memory_space<semaphore_mem>>) attributes {dimension_semantics = [#tpu.dimension_semantics<core_parallel>, #tpu.dimension_semantics<subcore_parallel>], iteration_bounds = array<i64: 2, 16>, scalar_prefetch = 0 : i64, scratch_operands = 3 : i64, tpu.core_type = #tpu.core_type<sc_vector_subcore>, window_params = [{transform_indices = #map}, {transform_indices = #map1}, {transform_indices = #map1}]} {
    %mul3A = arith.constant 2 : i32
    %mul3A_0 = arith.muli %arg1, %mul3A : i32
    %add3A = arith.addi %mul3A_0, %arg0 : i32
    "tpu.region"() ({
      %run_scoped3A = tpu.sem_alloc : memref<!tpu.dma_semaphore, #tpu.memory_space<semaphore_mem>>
      %dma_start3A_81 = arith.constant 0 : i32
      %dma_start3A_82 = arith.constant 0 : i32
      %dma_start3A_83 = tpu.memref_slice %arg2[%add3A, %dma_start3A_81, %dma_start3A_82] : memref<32x4x128xi32, #tpu.memory_space<hbm>> -> memref<1x4x128xi32, #tpu.memory_space<hbm>>
      %dma_start3A_84 = tpu.memref_squeeze %dma_start3A_83 : memref<1x4x128xi32, #tpu.memory_space<hbm>> -> memref<4x128xi32, #tpu.memory_space<hbm>>
      %dma_start3A_85 = arith.constant 0 : i32
      %dma_start3A_86 = arith.constant 0 : i32
      %dma_start3A_87 = tpu.memref_slice %arg2[%add3A, %dma_start3A_85, %dma_start3A_86] : memref<32x4x128xi32, #tpu.memory_space<hbm>> -> memref<1x4x128xi32, #tpu.memory_space<hbm>>
      %dma_start3A_88 = tpu.memref_squeeze %dma_start3A_87 : memref<1x4x128xi32, #tpu.memory_space<hbm>> -> memref<4x128xi32, #tpu.memory_space<hbm>>
      tpu.enqueue_dma source(%dma_start3A_88 : memref<4x128xi32, #tpu.memory_space<hbm>>) target(%arg5 : memref<4x128xi32, #tpu.memory_space<vmem>>) target_semaphore(%run_scoped3A : memref<!tpu.dma_semaphore, #tpu.memory_space<semaphore_mem>>)
      %dma_wait3A_89 = arith.constant 0 : i32
      %dma_wait3A_90 = arith.constant 0 : i32
      %dma_wait3A_91 = tpu.memref_slice %arg2[%add3A, %dma_wait3A_89, %dma_wait3A_90] : memref<32x4x128xi32, #tpu.memory_space<hbm>> -> memref<1x4x128xi32, #tpu.memory_space<hbm>>
      %dma_wait3A_92 = tpu.memref_squeeze %dma_wait3A_91 : memref<1x4x128xi32, #tpu.memory_space<hbm>> -> memref<4x128xi32, #tpu.memory_space<hbm>>
      %dma_wait3A_93 = arith.constant 0 : i32
      %dma_wait3A_94 = arith.constant 0 : i32
      %dma_wait3A_95 = tpu.memref_slice %arg2[%add3A, %dma_wait3A_93, %dma_wait3A_94] : memref<32x4x128xi32, #tpu.memory_space<hbm>> -> memref<1x4x128xi32, #tpu.memory_space<hbm>>
      %dma_wait3A_96 = tpu.memref_squeeze %dma_wait3A_95 : memref<1x4x128xi32, #tpu.memory_space<hbm>> -> memref<4x128xi32, #tpu.memory_space<hbm>>
      tpu.wait_dma2 semaphore(%run_scoped3A : memref<!tpu.dma_semaphore, #tpu.memory_space<semaphore_mem>>) src(%dma_wait3A_96 : memref<4x128xi32, #tpu.memory_space<hbm>>) dst(%arg5 : memref<4x128xi32, #tpu.memory_space<vmem>>)
      tpu.yield
    }) : () -> ()
    %dma_start3A = arith.constant 0 : i32
    %dma_start3A_1 = arith.constant 0 : i32
    %dma_start3A_2 = arith.constant 0 : i32
    %dma_start3A_3 = tpu.memref_slice %arg6[%dma_start3A_1, %dma_start3A_2] : memref<512x32xf32, #tpu.memory_space<vmem>> -> memref<128x32xf32, #tpu.memory_space<vmem>>
    %dma_start3A_4 = arith.constant 0 : i32
    %dma_start3A_5 = tpu.memref_slice %arg5[%dma_start3A, %dma_start3A_4] : memref<4x128xi32, #tpu.memory_space<vmem>> -> memref<1x128xi32, #tpu.memory_space<vmem>>
    %dma_start3A_6 = tpu.memref_squeeze %dma_start3A_5 : memref<1x128xi32, #tpu.memory_space<vmem>> -> memref<128xi32, #tpu.memory_space<vmem>>
    %dma_start3A_7 = arith.constant 0 : i32
    %dma_start3A_8 = arith.constant 0 : i32
    %dma_start3A_9 = tpu.memref_slice %arg3[%dma_start3A_7, %dma_start3A_8] : memref<100000x32xf32, #tpu.memory_space<hbm>> -> memref<100000x32xf32, #tpu.memory_space<hbm>>
    tpu.enqueue_indirect_dma source(%dma_start3A_9 : memref<100000x32xf32, #tpu.memory_space<hbm>>) target(%dma_start3A_3 : memref<128x32xf32, #tpu.memory_space<vmem>>) offsets(%dma_start3A_6 : memref<128xi32, #tpu.memory_space<vmem>>) semaphore(%arg7 : memref<!tpu.dma_semaphore, #tpu.memory_space<semaphore_mem>>)
    %dma_start3A_10 = arith.constant 1 : i32
    %dma_start3A_11 = arith.constant 128 : i32
    %dma_start3A_12 = arith.constant 0 : i32
    %dma_start3A_13 = tpu.memref_slice %arg6[%dma_start3A_11, %dma_start3A_12] : memref<512x32xf32, #tpu.memory_space<vmem>> -> memref<128x32xf32, #tpu.memory_space<vmem>>
    %dma_start3A_14 = arith.constant 0 : i32
    %dma_start3A_15 = tpu.memref_slice %arg5[%dma_start3A_10, %dma_start3A_14] : memref<4x128xi32, #tpu.memory_space<vmem>> -> memref<1x128xi32, #tpu.memory_space<vmem>>
    %dma_start3A_16 = tpu.memref_squeeze %dma_start3A_15 : memref<1x128xi32, #tpu.memory_space<vmem>> -> memref<128xi32, #tpu.memory_space<vmem>>
    %dma_start3A_17 = arith.constant 0 : i32
    %dma_start3A_18 = arith.constant 0 : i32
    %dma_start3A_19 = tpu.memref_slice %arg3[%dma_start3A_17, %dma_start3A_18] : memref<100000x32xf32, #tpu.memory_space<hbm>> -> memref<100000x32xf32, #tpu.memory_space<hbm>>
    tpu.enqueue_indirect_dma source(%dma_start3A_19 : memref<100000x32xf32, #tpu.memory_space<hbm>>) target(%dma_start3A_13 : memref<128x32xf32, #tpu.memory_space<vmem>>) offsets(%dma_start3A_16 : memref<128xi32, #tpu.memory_space<vmem>>) semaphore(%arg7 : memref<!tpu.dma_semaphore, #tpu.memory_space<semaphore_mem>>)
    %dma_start3A_20 = arith.constant 2 : i32
    %dma_start3A_21 = arith.constant 256 : i32
    %dma_start3A_22 = arith.constant 0 : i32
    %dma_start3A_23 = tpu.memref_slice %arg6[%dma_start3A_21, %dma_start3A_22] : memref<512x32xf32, #tpu.memory_space<vmem>> -> memref<128x32xf32, #tpu.memory_space<vmem>>
    %dma_start3A_24 = arith.constant 0 : i32
    %dma_start3A_25 = tpu.memref_slice %arg5[%dma_start3A_20, %dma_start3A_24] : memref<4x128xi32, #tpu.memory_space<vmem>> -> memref<1x128xi32, #tpu.memory_space<vmem>>
    %dma_start3A_26 = tpu.memref_squeeze %dma_start3A_25 : memref<1x128xi32, #tpu.memory_space<vmem>> -> memref<128xi32, #tpu.memory_space<vmem>>
    %dma_start3A_27 = arith.constant 0 : i32
    %dma_start3A_28 = arith.constant 0 : i32
    %dma_start3A_29 = tpu.memref_slice %arg3[%dma_start3A_27, %dma_start3A_28] : memref<100000x32xf32, #tpu.memory_space<hbm>> -> memref<100000x32xf32, #tpu.memory_space<hbm>>
    tpu.enqueue_indirect_dma source(%dma_start3A_29 : memref<100000x32xf32, #tpu.memory_space<hbm>>) target(%dma_start3A_23 : memref<128x32xf32, #tpu.memory_space<vmem>>) offsets(%dma_start3A_26 : memref<128xi32, #tpu.memory_space<vmem>>) semaphore(%arg7 : memref<!tpu.dma_semaphore, #tpu.memory_space<semaphore_mem>>)
    %dma_start3A_30 = arith.constant 3 : i32
    %dma_start3A_31 = arith.constant 384 : i32
    %dma_start3A_32 = arith.constant 0 : i32
    %dma_start3A_33 = tpu.memref_slice %arg6[%dma_start3A_31, %dma_start3A_32] : memref<512x32xf32, #tpu.memory_space<vmem>> -> memref<128x32xf32, #tpu.memory_space<vmem>>
    %dma_start3A_34 = arith.constant 0 : i32
    %dma_start3A_35 = tpu.memref_slice %arg5[%dma_start3A_30, %dma_start3A_34] : memref<4x128xi32, #tpu.memory_space<vmem>> -> memref<1x128xi32, #tpu.memory_space<vmem>>
    %dma_start3A_36 = tpu.memref_squeeze %dma_start3A_35 : memref<1x128xi32, #tpu.memory_space<vmem>> -> memref<128xi32, #tpu.memory_space<vmem>>
    %dma_start3A_37 = arith.constant 0 : i32
    %dma_start3A_38 = arith.constant 0 : i32
    %dma_start3A_39 = tpu.memref_slice %arg3[%dma_start3A_37, %dma_start3A_38] : memref<100000x32xf32, #tpu.memory_space<hbm>> -> memref<100000x32xf32, #tpu.memory_space<hbm>>
    tpu.enqueue_indirect_dma source(%dma_start3A_39 : memref<100000x32xf32, #tpu.memory_space<hbm>>) target(%dma_start3A_33 : memref<128x32xf32, #tpu.memory_space<vmem>>) offsets(%dma_start3A_36 : memref<128xi32, #tpu.memory_space<vmem>>) semaphore(%arg7 : memref<!tpu.dma_semaphore, #tpu.memory_space<semaphore_mem>>)
    %dma_wait3A = arith.constant 0 : i32
    %dma_wait3A_40 = arith.constant 0 : i32
    %dma_wait3A_41 = arith.constant 0 : i32
    %dma_wait3A_42 = tpu.memref_slice %arg6[%dma_wait3A_40, %dma_wait3A_41] : memref<512x32xf32, #tpu.memory_space<vmem>> -> memref<128x32xf32, #tpu.memory_space<vmem>>
    %dma_wait3A_43 = arith.constant 0 : i32
    %dma_wait3A_44 = tpu.memref_slice %arg5[%dma_wait3A, %dma_wait3A_43] : memref<4x128xi32, #tpu.memory_space<vmem>> -> memref<1x128xi32, #tpu.memory_space<vmem>>
    %dma_wait3A_45 = tpu.memref_squeeze %dma_wait3A_44 : memref<1x128xi32, #tpu.memory_space<vmem>> -> memref<128xi32, #tpu.memory_space<vmem>>
    %dma_wait3A_46 = arith.constant 0 : i32
    %dma_wait3A_47 = arith.constant 0 : i32
    %dma_wait3A_48 = tpu.memref_slice %arg3[%dma_wait3A_46, %dma_wait3A_47] : memref<100000x32xf32, #tpu.memory_space<hbm>> -> memref<100000x32xf32, #tpu.memory_space<hbm>>
    tpu.wait_indirect_dma semaphore(%arg7 : memref<!tpu.dma_semaphore, #tpu.memory_space<semaphore_mem>>) src(%dma_wait3A_48 : memref<100000x32xf32, #tpu.memory_space<hbm>>) dst(%dma_wait3A_42 : memref<128x32xf32, #tpu.memory_space<vmem>>)
    %dma_wait3A_49 = arith.constant 1 : i32
    %dma_wait3A_50 = arith.constant 128 : i32
    %dma_wait3A_51 = arith.constant 0 : i32
    %dma_wait3A_52 = tpu.memref_slice %arg6[%dma_wait3A_50, %dma_wait3A_51] : memref<512x32xf32, #tpu.memory_space<vmem>> -> memref<128x32xf32, #tpu.memory_space<vmem>>
    %dma_wait3A_53 = arith.constant 0 : i32
    %dma_wait3A_54 = tpu.memref_slice %arg5[%dma_wait3A_49, %dma_wait3A_53] : memref<4x128xi32, #tpu.memory_space<vmem>> -> memref<1x128xi32, #tpu.memory_space<vmem>>
    %dma_wait3A_55 = tpu.memref_squeeze %dma_wait3A_54 : memref<1x128xi32, #tpu.memory_space<vmem>> -> memref<128xi32, #tpu.memory_space<vmem>>
    %dma_wait3A_56 = arith.constant 0 : i32
    %dma_wait3A_57 = arith.constant 0 : i32
    %dma_wait3A_58 = tpu.memref_slice %arg3[%dma_wait3A_56, %dma_wait3A_57] : memref<100000x32xf32, #tpu.memory_space<hbm>> -> memref<100000x32xf32, #tpu.memory_space<hbm>>
    tpu.wait_indirect_dma semaphore(%arg7 : memref<!tpu.dma_semaphore, #tpu.memory_space<semaphore_mem>>) src(%dma_wait3A_58 : memref<100000x32xf32, #tpu.memory_space<hbm>>) dst(%dma_wait3A_52 : memref<128x32xf32, #tpu.memory_space<vmem>>)
    %dma_wait3A_59 = arith.constant 2 : i32
    %dma_wait3A_60 = arith.constant 256 : i32
    %dma_wait3A_61 = arith.constant 0 : i32
    %dma_wait3A_62 = tpu.memref_slice %arg6[%dma_wait3A_60, %dma_wait3A_61] : memref<512x32xf32, #tpu.memory_space<vmem>> -> memref<128x32xf32, #tpu.memory_space<vmem>>
    %dma_wait3A_63 = arith.constant 0 : i32
    %dma_wait3A_64 = tpu.memref_slice %arg5[%dma_wait3A_59, %dma_wait3A_63] : memref<4x128xi32, #tpu.memory_space<vmem>> -> memref<1x128xi32, #tpu.memory_space<vmem>>
    %dma_wait3A_65 = tpu.memref_squeeze %dma_wait3A_64 : memref<1x128xi32, #tpu.memory_space<vmem>> -> memref<128xi32, #tpu.memory_space<vmem>>
    %dma_wait3A_66 = arith.constant 0 : i32
    %dma_wait3A_67 = arith.constant 0 : i32
    %dma_wait3A_68 = tpu.memref_slice %arg3[%dma_wait3A_66, %dma_wait3A_67] : memref<100000x32xf32, #tpu.memory_space<hbm>> -> memref<100000x32xf32, #tpu.memory_space<hbm>>
    tpu.wait_indirect_dma semaphore(%arg7 : memref<!tpu.dma_semaphore, #tpu.memory_space<semaphore_mem>>) src(%dma_wait3A_68 : memref<100000x32xf32, #tpu.memory_space<hbm>>) dst(%dma_wait3A_62 : memref<128x32xf32, #tpu.memory_space<vmem>>)
    %dma_wait3A_69 = arith.constant 3 : i32
    %dma_wait3A_70 = arith.constant 384 : i32
    %dma_wait3A_71 = arith.constant 0 : i32
    %dma_wait3A_72 = tpu.memref_slice %arg6[%dma_wait3A_70, %dma_wait3A_71] : memref<512x32xf32, #tpu.memory_space<vmem>> -> memref<128x32xf32, #tpu.memory_space<vmem>>
    %dma_wait3A_73 = arith.constant 0 : i32
    %dma_wait3A_74 = tpu.memref_slice %arg5[%dma_wait3A_69, %dma_wait3A_73] : memref<4x128xi32, #tpu.memory_space<vmem>> -> memref<1x128xi32, #tpu.memory_space<vmem>>
    %dma_wait3A_75 = tpu.memref_squeeze %dma_wait3A_74 : memref<1x128xi32, #tpu.memory_space<vmem>> -> memref<128xi32, #tpu.memory_space<vmem>>
    %dma_wait3A_76 = arith.constant 0 : i32
    %dma_wait3A_77 = arith.constant 0 : i32
    %dma_wait3A_78 = tpu.memref_slice %arg3[%dma_wait3A_76, %dma_wait3A_77] : memref<100000x32xf32, #tpu.memory_space<hbm>> -> memref<100000x32xf32, #tpu.memory_space<hbm>>
    tpu.wait_indirect_dma semaphore(%arg7 : memref<!tpu.dma_semaphore, #tpu.memory_space<semaphore_mem>>) src(%dma_wait3A_78 : memref<100000x32xf32, #tpu.memory_space<hbm>>) dst(%dma_wait3A_72 : memref<128x32xf32, #tpu.memory_space<vmem>>)
    %mul3A_79 = arith.constant 512 : i32
    %mul3A_80 = arith.muli %add3A, %mul3A_79 : i32
    "tpu.region"() ({
      %run_scoped3A = tpu.sem_alloc : memref<!tpu.dma_semaphore, #tpu.memory_space<semaphore_mem>>
      %dma_start3A_81 = arith.constant 0 : i32
      %dma_start3A_82 = tpu.memref_slice %arg4[%mul3A_80, %dma_start3A_81] : memref<16384x32xf32, #tpu.memory_space<hbm>> -> memref<512x32xf32, #tpu.memory_space<hbm>>
      %dma_start3A_83 = arith.constant 0 : i32
      %dma_start3A_84 = tpu.memref_slice %arg4[%mul3A_80, %dma_start3A_83] : memref<16384x32xf32, #tpu.memory_space<hbm>> -> memref<512x32xf32, #tpu.memory_space<hbm>>
      tpu.enqueue_dma source(%arg6 : memref<512x32xf32, #tpu.memory_space<vmem>>) target(%dma_start3A_84 : memref<512x32xf32, #tpu.memory_space<hbm>>) target_semaphore(%run_scoped3A : memref<!tpu.dma_semaphore, #tpu.memory_space<semaphore_mem>>)
      %dma_wait3A_85 = arith.constant 0 : i32
      %dma_wait3A_86 = tpu.memref_slice %arg4[%mul3A_80, %dma_wait3A_85] : memref<16384x32xf32, #tpu.memory_space<hbm>> -> memref<512x32xf32, #tpu.memory_space<hbm>>
      %dma_wait3A_87 = arith.constant 0 : i32
      %dma_wait3A_88 = tpu.memref_slice %arg4[%mul3A_80, %dma_wait3A_87] : memref<16384x32xf32, #tpu.memory_space<hbm>> -> memref<512x32xf32, #tpu.memory_space<hbm>>
      tpu.wait_dma2 semaphore(%run_scoped3A : memref<!tpu.dma_semaphore, #tpu.memory_space<semaphore_mem>>) src(%arg6 : memref<512x32xf32, #tpu.memory_space<vmem>>) dst(%dma_wait3A_88 : memref<512x32xf32, #tpu.memory_space<hbm>>)
      tpu.yield
    }) : () -> ()
    return
  }
}

#map = affine_map<(d0, d1) -> (0)>
#map1 = affine_map<(d0, d1) -> (0, 0)>
module attributes {stable_mosaic.version = 14 : i64} {
  func.func @_dot_body(%arg0: i32, %arg1: i32, %arg2: memref<16384xi32, #tpu.memory_space<hbm>>, %arg3: memref<32x1000000xf32, #tpu.memory_space<hbm>>, %arg4: memref<524288xf32, #tpu.memory_space<hbm>>, %arg5: memref<16384xf32, #tpu.memory_space<hbm>>, %arg6: memref<528xi32, #tpu.memory_space<vmem>>, %arg7: memref<16384xf32, #tpu.memory_space<vmem>>, %arg8: memref<8x32x128xf32, #tpu.memory_space<vmem>>, %arg9: memref<512xf32, #tpu.memory_space<vmem>>, %arg10: memref<!tpu.dma_semaphore, #tpu.memory_space<semaphore_mem>>) attributes {dimension_semantics = [#tpu.dimension_semantics<core_parallel>, #tpu.dimension_semantics<subcore_parallel>], iteration_bounds = array<i64: 2, 16>, scalar_prefetch = 0 : i64, scratch_operands = 5 : i64, tpu.core_type = #tpu.core_type<sc_vector_subcore>, window_params = [{transform_indices = #map}, {transform_indices = #map1}, {transform_indices = #map}, {transform_indices = #map}]} {
    %mul3A = arith.constant 2 : i32
    %mul3A_0 = arith.muli %arg1, %mul3A : i32
    %add3A = arith.addi %mul3A_0, %arg0 : i32
    %mul3A_1 = arith.constant 512 : i32
    %mul3A_2 = arith.muli %add3A, %mul3A_1 : i32
    "tpu.region"() ({
      %run_scoped3A = tpu.sem_alloc : memref<!tpu.dma_semaphore, #tpu.memory_space<semaphore_mem>>
      %dma_start3A = arith.constant 0 : i32
      %dma_start3A_11 = tpu.memref_slice %arg6[%dma_start3A] : memref<528xi32, #tpu.memory_space<vmem>> -> memref<512xi32, #tpu.memory_space<vmem>>
      %dma_start3A_12 = tpu.memref_slice %arg2[%mul3A_2] : memref<16384xi32, #tpu.memory_space<hbm>> -> memref<512xi32, #tpu.memory_space<hbm>>
      %dma_start3A_13 = arith.constant 0 : i32
      %dma_start3A_14 = tpu.memref_slice %arg6[%dma_start3A_13] : memref<528xi32, #tpu.memory_space<vmem>> -> memref<512xi32, #tpu.memory_space<vmem>>
      %dma_start3A_15 = tpu.memref_slice %arg2[%mul3A_2] : memref<16384xi32, #tpu.memory_space<hbm>> -> memref<512xi32, #tpu.memory_space<hbm>>
      tpu.enqueue_dma source(%dma_start3A_15 : memref<512xi32, #tpu.memory_space<hbm>>) target(%dma_start3A_14 : memref<512xi32, #tpu.memory_space<vmem>>) target_semaphore(%run_scoped3A : memref<!tpu.dma_semaphore, #tpu.memory_space<semaphore_mem>>)
      %dma_wait3A = arith.constant 0 : i32
      %dma_wait3A_16 = tpu.memref_slice %arg6[%dma_wait3A] : memref<528xi32, #tpu.memory_space<vmem>> -> memref<512xi32, #tpu.memory_space<vmem>>
      %dma_wait3A_17 = tpu.memref_slice %arg2[%mul3A_2] : memref<16384xi32, #tpu.memory_space<hbm>> -> memref<512xi32, #tpu.memory_space<hbm>>
      %dma_wait3A_18 = arith.constant 0 : i32
      %dma_wait3A_19 = tpu.memref_slice %arg6[%dma_wait3A_18] : memref<528xi32, #tpu.memory_space<vmem>> -> memref<512xi32, #tpu.memory_space<vmem>>
      %dma_wait3A_20 = tpu.memref_slice %arg2[%mul3A_2] : memref<16384xi32, #tpu.memory_space<hbm>> -> memref<512xi32, #tpu.memory_space<hbm>>
      tpu.wait_dma2 semaphore(%run_scoped3A : memref<!tpu.dma_semaphore, #tpu.memory_space<semaphore_mem>>) src(%dma_wait3A_20 : memref<512xi32, #tpu.memory_space<hbm>>) dst(%dma_wait3A_19 : memref<512xi32, #tpu.memory_space<vmem>>)
      tpu.yield
    }) : () -> ()
    %mul3A_3 = arith.constant 32 : i32
    %mul3A_4 = arith.muli %mul3A_2, %mul3A_3 : i32
    "tpu.region"() ({
      %run_scoped3A = tpu.sem_alloc : memref<!tpu.dma_semaphore, #tpu.memory_space<semaphore_mem>>
      %dma_start3A = tpu.memref_slice %arg4[%mul3A_4] : memref<524288xf32, #tpu.memory_space<hbm>> -> memref<16384xf32, #tpu.memory_space<hbm>>
      %dma_start3A_11 = tpu.memref_slice %arg4[%mul3A_4] : memref<524288xf32, #tpu.memory_space<hbm>> -> memref<16384xf32, #tpu.memory_space<hbm>>
      tpu.enqueue_dma source(%dma_start3A_11 : memref<16384xf32, #tpu.memory_space<hbm>>) target(%arg7 : memref<16384xf32, #tpu.memory_space<vmem>>) target_semaphore(%run_scoped3A : memref<!tpu.dma_semaphore, #tpu.memory_space<semaphore_mem>>)
      %dma_wait3A = tpu.memref_slice %arg4[%mul3A_4] : memref<524288xf32, #tpu.memory_space<hbm>> -> memref<16384xf32, #tpu.memory_space<hbm>>
      %dma_wait3A_12 = tpu.memref_slice %arg4[%mul3A_4] : memref<524288xf32, #tpu.memory_space<hbm>> -> memref<16384xf32, #tpu.memory_space<hbm>>
      tpu.wait_dma2 semaphore(%run_scoped3A : memref<!tpu.dma_semaphore, #tpu.memory_space<semaphore_mem>>) src(%dma_wait3A_12 : memref<16384xf32, #tpu.memory_space<hbm>>) dst(%arg7 : memref<16384xf32, #tpu.memory_space<vmem>>)
      tpu.yield
    }) : () -> ()
    %iota3A = tpu.iota {dimensions = array<i32: 0>} : vector<16xi32>
    %broadcast_in_dim3A = arith.constant 0.000000e+00 : f32
    %broadcast_in_dim3A_5 = vector.broadcast %broadcast_in_dim3A : f32 to vector<16xf32>
    %scan3A = arith.constant 0 : i32
    %scan3A_6 = arith.constant 64 : i32
    %scan3A_7 = arith.addi %scan3A, %scan3A_6 : i32
    %scan3A_8 = arith.constant 1 : i32
    %scan3A_9 = scf.for %scan3A_11 = %scan3A to %scan3A_7 step %scan3A_8 iter_args(%scan3A_12 = %broadcast_in_dim3A_5) -> (vector<16xf32>)  : i32 {
      %mul3A_13 = arith.constant 8 : i32
      %mul3A_14 = arith.muli %scan3A_11, %mul3A_13 : i32
      %get3A = arith.index_cast %mul3A_14 : i32 to index
      %get3A_15 = tpu.vector_load %arg6[%get3A] {strides = array<i32>} : memref<528xi32, #tpu.memory_space<vmem>>, vector<16xi32>,
      %slice3A = vector.extract_strided_slice %get3A_15 {offsets = [0], sizes = [1], strides = [1]} : vector<16xi32> to vector<1xi32>
      %squeeze3A = vector.extract %slice3A[0] : i32 from vector<1xi32>
      %jit3A = arith.constant 128 : i32
      %div3A = arith.divsi %squeeze3A, %jit3A : i32
      %sign3A = arith.constant 0 : i32
      %sign3A_16 = arith.cmpi sgt, %squeeze3A, %sign3A : i32
      %sign3A_17 = arith.extui %sign3A_16 : i1 to i32
      %sign3A_18 = arith.constant 0 : i32
      %sign3A_19 = arith.cmpi slt, %squeeze3A, %sign3A_18 : i32
      %sign3A_20 = arith.extui %sign3A_19 : i1 to i32
      %sign3A_21 = arith.subi %sign3A_17, %sign3A_20 : i32
      %sign3A_22 = arith.constant 0 : i32
      %sign3A_23 = arith.cmpi sgt, %jit3A, %sign3A_22 : i32
      %sign3A_24 = arith.extui %sign3A_23 : i1 to i32
      %sign3A_25 = arith.constant 0 : i32
      %sign3A_26 = arith.cmpi slt, %jit3A, %sign3A_25 : i32
      %sign3A_27 = arith.extui %sign3A_26 : i1 to i32
      %sign3A_28 = arith.subi %sign3A_24, %sign3A_27 : i32
      %ne3A = arith.cmpi ne, %sign3A_21, %sign3A_28 : i32
      %rem3A = arith.remsi %squeeze3A, %jit3A : i32
      %ne3A_29 = arith.constant 0 : i32
      %ne3A_30 = arith.cmpi ne, %rem3A, %ne3A_29 : i32
      %and3A = arith.andi %ne3A, %ne3A_30 : i1
      %sub3A = arith.constant 1 : i32
      %sub3A_31 = arith.subi %div3A, %sub3A : i32
      %select_n3A = arith.select %and3A, %sub3A_31, %div3A : i32
      %mul3A_32 = arith.constant 128 : i32
      %mul3A_33 = arith.muli %select_n3A, %mul3A_32 : i32
      %multiple_of3A = tpu.assume_multiple %mul3A_33, 128 : i32
      %dma_start3A = arith.constant 0 : i32
      %dma_start3A_34 = arith.constant 0 : i32
      %dma_start3A_35 = arith.constant 0 : i32
      %dma_start3A_36 = tpu.memref_slice %arg8[%dma_start3A, %dma_start3A_34, %dma_start3A_35] : memref<8x32x128xf32, #tpu.memory_space<vmem>> -> memref<1x32x128xf32, #tpu.memory_space<vmem>>
      %dma_start3A_37 = tpu.memref_squeeze %dma_start3A_36 : memref<1x32x128xf32, #tpu.memory_space<vmem>> -> memref<32x128xf32, #tpu.memory_space<vmem>>
      %dma_start3A_38 = arith.constant 0 : i32
      %dma_start3A_39 = tpu.memref_slice %arg3[%dma_start3A_38, %multiple_of3A] : memref<32x1000000xf32, #tpu.memory_space<hbm>> -> memref<32x128xf32, #tpu.memory_space<hbm>>
      %dma_start3A_40 = arith.constant 0 : i32
      %dma_start3A_41 = arith.constant 0 : i32
      %dma_start3A_42 = tpu.memref_slice %arg8[%dma_start3A, %dma_start3A_40, %dma_start3A_41] : memref<8x32x128xf32, #tpu.memory_space<vmem>> -> memref<1x32x128xf32, #tpu.memory_space<vmem>>
      %dma_start3A_43 = tpu.memref_squeeze %dma_start3A_42 : memref<1x32x128xf32, #tpu.memory_space<vmem>> -> memref<32x128xf32, #tpu.memory_space<vmem>>
      %dma_start3A_44 = arith.constant 0 : i32
      %dma_start3A_45 = tpu.memref_slice %arg3[%dma_start3A_44, %multiple_of3A] : memref<32x1000000xf32, #tpu.memory_space<hbm>> -> memref<32x128xf32, #tpu.memory_space<hbm>>
      tpu.enqueue_dma source(%dma_start3A_45 : memref<32x128xf32, #tpu.memory_space<hbm>>) target(%dma_start3A_43 : memref<32x128xf32, #tpu.memory_space<vmem>>) target_semaphore(%arg10 : memref<!tpu.dma_semaphore, #tpu.memory_space<semaphore_mem>>)
      %slice3A_46 = vector.extract_strided_slice %get3A_15 {offsets = [1], sizes = [1], strides = [1]} : vector<16xi32> to vector<1xi32>
      %squeeze3A_47 = vector.extract %slice3A_46[0] : i32 from vector<1xi32>
      %jit3A_48 = arith.constant 128 : i32
      %div3A_49 = arith.divsi %squeeze3A_47, %jit3A_48 : i32
      %sign3A_50 = arith.constant 0 : i32
      %sign3A_51 = arith.cmpi sgt, %squeeze3A_47, %sign3A_50 : i32
      %sign3A_52 = arith.extui %sign3A_51 : i1 to i32
      %sign3A_53 = arith.constant 0 : i32
      %sign3A_54 = arith.cmpi slt, %squeeze3A_47, %sign3A_53 : i32
      %sign3A_55 = arith.extui %sign3A_54 : i1 to i32
      %sign3A_56 = arith.subi %sign3A_52, %sign3A_55 : i32
      %sign3A_57 = arith.constant 0 : i32
      %sign3A_58 = arith.cmpi sgt, %jit3A_48, %sign3A_57 : i32
      %sign3A_59 = arith.extui %sign3A_58 : i1 to i32
      %sign3A_60 = arith.constant 0 : i32
      %sign3A_61 = arith.cmpi slt, %jit3A_48, %sign3A_60 : i32
      %sign3A_62 = arith.extui %sign3A_61 : i1 to i32
      %sign3A_63 = arith.subi %sign3A_59, %sign3A_62 : i32
      %ne3A_64 = arith.cmpi ne, %sign3A_56, %sign3A_63 : i32
      %rem3A_65 = arith.remsi %squeeze3A_47, %jit3A_48 : i32
      %ne3A_66 = arith.constant 0 : i32
      %ne3A_67 = arith.cmpi ne, %rem3A_65, %ne3A_66 : i32
      %and3A_68 = arith.andi %ne3A_64, %ne3A_67 : i1
      %sub3A_69 = arith.constant 1 : i32
      %sub3A_70 = arith.subi %div3A_49, %sub3A_69 : i32
      %select_n3A_71 = arith.select %and3A_68, %sub3A_70, %div3A_49 : i32
      %mul3A_72 = arith.constant 128 : i32
      %mul3A_73 = arith.muli %select_n3A_71, %mul3A_72 : i32
      %multiple_of3A_74 = tpu.assume_multiple %mul3A_73, 128 : i32
      %dma_start3A_75 = arith.constant 1 : i32
      %dma_start3A_76 = arith.constant 0 : i32
      %dma_start3A_77 = arith.constant 0 : i32
      %dma_start3A_78 = tpu.memref_slice %arg8[%dma_start3A_75, %dma_start3A_76, %dma_start3A_77] : memref<8x32x128xf32, #tpu.memory_space<vmem>> -> memref<1x32x128xf32, #tpu.memory_space<vmem>>
      %dma_start3A_79 = tpu.memref_squeeze %dma_start3A_78 : memref<1x32x128xf32, #tpu.memory_space<vmem>> -> memref<32x128xf32, #tpu.memory_space<vmem>>
      %dma_start3A_80 = arith.constant 0 : i32
      %dma_start3A_81 = tpu.memref_slice %arg3[%dma_start3A_80, %multiple_of3A_74] : memref<32x1000000xf32, #tpu.memory_space<hbm>> -> memref<32x128xf32, #tpu.memory_space<hbm>>
      %dma_start3A_82 = arith.constant 0 : i32
      %dma_start3A_83 = arith.constant 0 : i32
      %dma_start3A_84 = tpu.memref_slice %arg8[%dma_start3A_75, %dma_start3A_82, %dma_start3A_83] : memref<8x32x128xf32, #tpu.memory_space<vmem>> -> memref<1x32x128xf32, #tpu.memory_space<vmem>>
      %dma_start3A_85 = tpu.memref_squeeze %dma_start3A_84 : memref<1x32x128xf32, #tpu.memory_space<vmem>> -> memref<32x128xf32, #tpu.memory_space<vmem>>
      %dma_start3A_86 = arith.constant 0 : i32
      %dma_start3A_87 = tpu.memref_slice %arg3[%dma_start3A_86, %multiple_of3A_74] : memref<32x1000000xf32, #tpu.memory_space<hbm>> -> memref<32x128xf32, #tpu.memory_space<hbm>>
      tpu.enqueue_dma source(%dma_start3A_87 : memref<32x128xf32, #tpu.memory_space<hbm>>) target(%dma_start3A_85 : memref<32x128xf32, #tpu.memory_space<vmem>>) target_semaphore(%arg10 : memref<!tpu.dma_semaphore, #tpu.memory_space<semaphore_mem>>)
      %slice3A_88 = vector.extract_strided_slice %get3A_15 {offsets = [2], sizes = [1], strides = [1]} : vector<16xi32> to vector<1xi32>
      %squeeze3A_89 = vector.extract %slice3A_88[0] : i32 from vector<1xi32>
      %jit3A_90 = arith.constant 128 : i32
      %div3A_91 = arith.divsi %squeeze3A_89, %jit3A_90 : i32
      %sign3A_92 = arith.constant 0 : i32
      %sign3A_93 = arith.cmpi sgt, %squeeze3A_89, %sign3A_92 : i32
      %sign3A_94 = arith.extui %sign3A_93 : i1 to i32
      %sign3A_95 = arith.constant 0 : i32
      %sign3A_96 = arith.cmpi slt, %squeeze3A_89, %sign3A_95 : i32
      %sign3A_97 = arith.extui %sign3A_96 : i1 to i32
      %sign3A_98 = arith.subi %sign3A_94, %sign3A_97 : i32
      %sign3A_99 = arith.constant 0 : i32
      %sign3A_100 = arith.cmpi sgt, %jit3A_90, %sign3A_99 : i32
      %sign3A_101 = arith.extui %sign3A_100 : i1 to i32
      %sign3A_102 = arith.constant 0 : i32
      %sign3A_103 = arith.cmpi slt, %jit3A_90, %sign3A_102 : i32
      %sign3A_104 = arith.extui %sign3A_103 : i1 to i32
      %sign3A_105 = arith.subi %sign3A_101, %sign3A_104 : i32
      %ne3A_106 = arith.cmpi ne, %sign3A_98, %sign3A_105 : i32
      %rem3A_107 = arith.remsi %squeeze3A_89, %jit3A_90 : i32
      %ne3A_108 = arith.constant 0 : i32
      %ne3A_109 = arith.cmpi ne, %rem3A_107, %ne3A_108 : i32
      %and3A_110 = arith.andi %ne3A_106, %ne3A_109 : i1
      %sub3A_111 = arith.constant 1 : i32
      %sub3A_112 = arith.subi %div3A_91, %sub3A_111 : i32
      %select_n3A_113 = arith.select %and3A_110, %sub3A_112, %div3A_91 : i32
      %mul3A_114 = arith.constant 128 : i32
      %mul3A_115 = arith.muli %select_n3A_113, %mul3A_114 : i32
      %multiple_of3A_116 = tpu.assume_multiple %mul3A_115, 128 : i32
      %dma_start3A_117 = arith.constant 2 : i32
      %dma_start3A_118 = arith.constant 0 : i32
      %dma_start3A_119 = arith.constant 0 : i32
      %dma_start3A_120 = tpu.memref_slice %arg8[%dma_start3A_117, %dma_start3A_118, %dma_start3A_119] : memref<8x32x128xf32, #tpu.memory_space<vmem>> -> memref<1x32x128xf32, #tpu.memory_space<vmem>>
      %dma_start3A_121 = tpu.memref_squeeze %dma_start3A_120 : memref<1x32x128xf32, #tpu.memory_space<vmem>> -> memref<32x128xf32, #tpu.memory_space<vmem>>
      %dma_start3A_122 = arith.constant 0 : i32
      %dma_start3A_123 = tpu.memref_slice %arg3[%dma_start3A_122, %multiple_of3A_116] : memref<32x1000000xf32, #tpu.memory_space<hbm>> -> memref<32x128xf32, #tpu.memory_space<hbm>>
      %dma_start3A_124 = arith.constant 0 : i32
      %dma_start3A_125 = arith.constant 0 : i32
      %dma_start3A_126 = tpu.memref_slice %arg8[%dma_start3A_117, %dma_start3A_124, %dma_start3A_125] : memref<8x32x128xf32, #tpu.memory_space<vmem>> -> memref<1x32x128xf32, #tpu.memory_space<vmem>>
      %dma_start3A_127 = tpu.memref_squeeze %dma_start3A_126 : memref<1x32x128xf32, #tpu.memory_space<vmem>> -> memref<32x128xf32, #tpu.memory_space<vmem>>
      %dma_start3A_128 = arith.constant 0 : i32
      %dma_start3A_129 = tpu.memref_slice %arg3[%dma_start3A_128, %multiple_of3A_116] : memref<32x1000000xf32, #tpu.memory_space<hbm>> -> memref<32x128xf32, #tpu.memory_space<hbm>>
      tpu.enqueue_dma source(%dma_start3A_129 : memref<32x128xf32, #tpu.memory_space<hbm>>) target(%dma_start3A_127 : memref<32x128xf32, #tpu.memory_space<vmem>>) target_semaphore(%arg10 : memref<!tpu.dma_semaphore, #tpu.memory_space<semaphore_mem>>)
      %slice3A_130 = vector.extract_strided_slice %get3A_15 {offsets = [3], sizes = [1], strides = [1]} : vector<16xi32> to vector<1xi32>
      %squeeze3A_131 = vector.extract %slice3A_130[0] : i32 from vector<1xi32>
      %jit3A_132 = arith.constant 128 : i32
      %div3A_133 = arith.divsi %squeeze3A_131, %jit3A_132 : i32
      %sign3A_134 = arith.constant 0 : i32
      %sign3A_135 = arith.cmpi sgt, %squeeze3A_131, %sign3A_134 : i32
      %sign3A_136 = arith.extui %sign3A_135 : i1 to i32
      %sign3A_137 = arith.constant 0 : i32
      %sign3A_138 = arith.cmpi slt, %squeeze3A_131, %sign3A_137 : i32
      %sign3A_139 = arith.extui %sign3A_138 : i1 to i32
      %sign3A_140 = arith.subi %sign3A_136, %sign3A_139 : i32
      %sign3A_141 = arith.constant 0 : i32
      %sign3A_142 = arith.cmpi sgt, %jit3A_132, %sign3A_141 : i32
      %sign3A_143 = arith.extui %sign3A_142 : i1 to i32
      %sign3A_144 = arith.constant 0 : i32
      %sign3A_145 = arith.cmpi slt, %jit3A_132, %sign3A_144 : i32
      %sign3A_146 = arith.extui %sign3A_145 : i1 to i32
      %sign3A_147 = arith.subi %sign3A_143, %sign3A_146 : i32
      %ne3A_148 = arith.cmpi ne, %sign3A_140, %sign3A_147 : i32
      %rem3A_149 = arith.remsi %squeeze3A_131, %jit3A_132 : i32
      %ne3A_150 = arith.constant 0 : i32
      %ne3A_151 = arith.cmpi ne, %rem3A_149, %ne3A_150 : i32
      %and3A_152 = arith.andi %ne3A_148, %ne3A_151 : i1
      %sub3A_153 = arith.constant 1 : i32
      %sub3A_154 = arith.subi %div3A_133, %sub3A_153 : i32
      %select_n3A_155 = arith.select %and3A_152, %sub3A_154, %div3A_133 : i32
      %mul3A_156 = arith.constant 128 : i32
      %mul3A_157 = arith.muli %select_n3A_155, %mul3A_156 : i32
      %multiple_of3A_158 = tpu.assume_multiple %mul3A_157, 128 : i32
      %dma_start3A_159 = arith.constant 3 : i32
      %dma_start3A_160 = arith.constant 0 : i32
      %dma_start3A_161 = arith.constant 0 : i32
      %dma_start3A_162 = tpu.memref_slice %arg8[%dma_start3A_159, %dma_start3A_160, %dma_start3A_161] : memref<8x32x128xf32, #tpu.memory_space<vmem>> -> memref<1x32x128xf32, #tpu.memory_space<vmem>>
      %dma_start3A_163 = tpu.memref_squeeze %dma_start3A_162 : memref<1x32x128xf32, #tpu.memory_space<vmem>> -> memref<32x128xf32, #tpu.memory_space<vmem>>
      %dma_start3A_164 = arith.constant 0 : i32
      %dma_start3A_165 = tpu.memref_slice %arg3[%dma_start3A_164, %multiple_of3A_158] : memref<32x1000000xf32, #tpu.memory_space<hbm>> -> memref<32x128xf32, #tpu.memory_space<hbm>>
      %dma_start3A_166 = arith.constant 0 : i32
      %dma_start3A_167 = arith.constant 0 : i32
      %dma_start3A_168 = tpu.memref_slice %arg8[%dma_start3A_159, %dma_start3A_166, %dma_start3A_167] : memref<8x32x128xf32, #tpu.memory_space<vmem>> -> memref<1x32x128xf32, #tpu.memory_space<vmem>>
      %dma_start3A_169 = tpu.memref_squeeze %dma_start3A_168 : memref<1x32x128xf32, #tpu.memory_space<vmem>> -> memref<32x128xf32, #tpu.memory_space<vmem>>
      %dma_start3A_170 = arith.constant 0 : i32
      %dma_start3A_171 = tpu.memref_slice %arg3[%dma_start3A_170, %multiple_of3A_158] : memref<32x1000000xf32, #tpu.memory_space<hbm>> -> memref<32x128xf32, #tpu.memory_space<hbm>>
      tpu.enqueue_dma source(%dma_start3A_171 : memref<32x128xf32, #tpu.memory_space<hbm>>) target(%dma_start3A_169 : memref<32x128xf32, #tpu.memory_space<vmem>>) target_semaphore(%arg10 : memref<!tpu.dma_semaphore, #tpu.memory_space<semaphore_mem>>)
      %slice3A_172 = vector.extract_strided_slice %get3A_15 {offsets = [4], sizes = [1], strides = [1]} : vector<16xi32> to vector<1xi32>
      %squeeze3A_173 = vector.extract %slice3A_172[0] : i32 from vector<1xi32>
      %jit3A_174 = arith.constant 128 : i32
      %div3A_175 = arith.divsi %squeeze3A_173, %jit3A_174 : i32
      %sign3A_176 = arith.constant 0 : i32
      %sign3A_177 = arith.cmpi sgt, %squeeze3A_173, %sign3A_176 : i32
      %sign3A_178 = arith.extui %sign3A_177 : i1 to i32
      %sign3A_179 = arith.constant 0 : i32
      %sign3A_180 = arith.cmpi slt, %squeeze3A_173, %sign3A_179 : i32
      %sign3A_181 = arith.extui %sign3A_180 : i1 to i32
      %sign3A_182 = arith.subi %sign3A_178, %sign3A_181 : i32
      %sign3A_183 = arith.constant 0 : i32
      %sign3A_184 = arith.cmpi sgt, %jit3A_174, %sign3A_183 : i32
      %sign3A_185 = arith.extui %sign3A_184 : i1 to i32
      %sign3A_186 = arith.constant 0 : i32
      %sign3A_187 = arith.cmpi slt, %jit3A_174, %sign3A_186 : i32
      %sign3A_188 = arith.extui %sign3A_187 : i1 to i32
      %sign3A_189 = arith.subi %sign3A_185, %sign3A_188 : i32
      %ne3A_190 = arith.cmpi ne, %sign3A_182, %sign3A_189 : i32
      %rem3A_191 = arith.remsi %squeeze3A_173, %jit3A_174 : i32
      %ne3A_192 = arith.constant 0 : i32
      %ne3A_193 = arith.cmpi ne, %rem3A_191, %ne3A_192 : i32
      %and3A_194 = arith.andi %ne3A_190, %ne3A_193 : i1
      %sub3A_195 = arith.constant 1 : i32
      %sub3A_196 = arith.subi %div3A_175, %sub3A_195 : i32
      %select_n3A_197 = arith.select %and3A_194, %sub3A_196, %div3A_175 : i32
      %mul3A_198 = arith.constant 128 : i32
      %mul3A_199 = arith.muli %select_n3A_197, %mul3A_198 : i32
      %multiple_of3A_200 = tpu.assume_multiple %mul3A_199, 128 : i32
      %dma_start3A_201 = arith.constant 4 : i32
      %dma_start3A_202 = arith.constant 0 : i32
      %dma_start3A_203 = arith.constant 0 : i32
      %dma_start3A_204 = tpu.memref_slice %arg8[%dma_start3A_201, %dma_start3A_202, %dma_start3A_203] : memref<8x32x128xf32, #tpu.memory_space<vmem>> -> memref<1x32x128xf32, #tpu.memory_space<vmem>>
      %dma_start3A_205 = tpu.memref_squeeze %dma_start3A_204 : memref<1x32x128xf32, #tpu.memory_space<vmem>> -> memref<32x128xf32, #tpu.memory_space<vmem>>
      %dma_start3A_206 = arith.constant 0 : i32
      %dma_start3A_207 = tpu.memref_slice %arg3[%dma_start3A_206, %multiple_of3A_200] : memref<32x1000000xf32, #tpu.memory_space<hbm>> -> memref<32x128xf32, #tpu.memory_space<hbm>>
      %dma_start3A_208 = arith.constant 0 : i32
      %dma_start3A_209 = arith.constant 0 : i32
      %dma_start3A_210 = tpu.memref_slice %arg8[%dma_start3A_201, %dma_start3A_208, %dma_start3A_209] : memref<8x32x128xf32, #tpu.memory_space<vmem>> -> memref<1x32x128xf32, #tpu.memory_space<vmem>>
      %dma_start3A_211 = tpu.memref_squeeze %dma_start3A_210 : memref<1x32x128xf32, #tpu.memory_space<vmem>> -> memref<32x128xf32, #tpu.memory_space<vmem>>
      %dma_start3A_212 = arith.constant 0 : i32
      %dma_start3A_213 = tpu.memref_slice %arg3[%dma_start3A_212, %multiple_of3A_200] : memref<32x1000000xf32, #tpu.memory_space<hbm>> -> memref<32x128xf32, #tpu.memory_space<hbm>>
      tpu.enqueue_dma source(%dma_start3A_213 : memref<32x128xf32, #tpu.memory_space<hbm>>) target(%dma_start3A_211 : memref<32x128xf32, #tpu.memory_space<vmem>>) target_semaphore(%arg10 : memref<!tpu.dma_semaphore, #tpu.memory_space<semaphore_mem>>)
      %slice3A_214 = vector.extract_strided_slice %get3A_15 {offsets = [5], sizes = [1], strides = [1]} : vector<16xi32> to vector<1xi32>
      %squeeze3A_215 = vector.extract %slice3A_214[0] : i32 from vector<1xi32>
      %jit3A_216 = arith.constant 128 : i32
      %div3A_217 = arith.divsi %squeeze3A_215, %jit3A_216 : i32
      %sign3A_218 = arith.constant 0 : i32
      %sign3A_219 = arith.cmpi sgt, %squeeze3A_215, %sign3A_218 : i32
      %sign3A_220 = arith.extui %sign3A_219 : i1 to i32
      %sign3A_221 = arith.constant 0 : i32
      %sign3A_222 = arith.cmpi slt, %squeeze3A_215, %sign3A_221 : i32
      %sign3A_223 = arith.extui %sign3A_222 : i1 to i32
      %sign3A_224 = arith.subi %sign3A_220, %sign3A_223 : i32
      %sign3A_225 = arith.constant 0 : i32
      %sign3A_226 = arith.cmpi sgt, %jit3A_216, %sign3A_225 : i32
      %sign3A_227 = arith.extui %sign3A_226 : i1 to i32
      %sign3A_228 = arith.constant 0 : i32
      %sign3A_229 = arith.cmpi slt, %jit3A_216, %sign3A_228 : i32
      %sign3A_230 = arith.extui %sign3A_229 : i1 to i32
      %sign3A_231 = arith.subi %sign3A_227, %sign3A_230 : i32
      %ne3A_232 = arith.cmpi ne, %sign3A_224, %sign3A_231 : i32
      %rem3A_233 = arith.remsi %squeeze3A_215, %jit3A_216 : i32
      %ne3A_234 = arith.constant 0 : i32
      %ne3A_235 = arith.cmpi ne, %rem3A_233, %ne3A_234 : i32
      %and3A_236 = arith.andi %ne3A_232, %ne3A_235 : i1
      %sub3A_237 = arith.constant 1 : i32
      %sub3A_238 = arith.subi %div3A_217, %sub3A_237 : i32
      %select_n3A_239 = arith.select %and3A_236, %sub3A_238, %div3A_217 : i32
      %mul3A_240 = arith.constant 128 : i32
      %mul3A_241 = arith.muli %select_n3A_239, %mul3A_240 : i32
      %multiple_of3A_242 = tpu.assume_multiple %mul3A_241, 128 : i32
      %dma_start3A_243 = arith.constant 5 : i32
      %dma_start3A_244 = arith.constant 0 : i32
      %dma_start3A_245 = arith.constant 0 : i32
      %dma_start3A_246 = tpu.memref_slice %arg8[%dma_start3A_243, %dma_start3A_244, %dma_start3A_245] : memref<8x32x128xf32, #tpu.memory_space<vmem>> -> memref<1x32x128xf32, #tpu.memory_space<vmem>>
      %dma_start3A_247 = tpu.memref_squeeze %dma_start3A_246 : memref<1x32x128xf32, #tpu.memory_space<vmem>> -> memref<32x128xf32, #tpu.memory_space<vmem>>
      %dma_start3A_248 = arith.constant 0 : i32
      %dma_start3A_249 = tpu.memref_slice %arg3[%dma_start3A_248, %multiple_of3A_242] : memref<32x1000000xf32, #tpu.memory_space<hbm>> -> memref<32x128xf32, #tpu.memory_space<hbm>>
      %dma_start3A_250 = arith.constant 0 : i32
      %dma_start3A_251 = arith.constant 0 : i32
      %dma_start3A_252 = tpu.memref_slice %arg8[%dma_start3A_243, %dma_start3A_250, %dma_start3A_251] : memref<8x32x128xf32, #tpu.memory_space<vmem>> -> memref<1x32x128xf32, #tpu.memory_space<vmem>>
      %dma_start3A_253 = tpu.memref_squeeze %dma_start3A_252 : memref<1x32x128xf32, #tpu.memory_space<vmem>> -> memref<32x128xf32, #tpu.memory_space<vmem>>
      %dma_start3A_254 = arith.constant 0 : i32
      %dma_start3A_255 = tpu.memref_slice %arg3[%dma_start3A_254, %multiple_of3A_242] : memref<32x1000000xf32, #tpu.memory_space<hbm>> -> memref<32x128xf32, #tpu.memory_space<hbm>>
      tpu.enqueue_dma source(%dma_start3A_255 : memref<32x128xf32, #tpu.memory_space<hbm>>) target(%dma_start3A_253 : memref<32x128xf32, #tpu.memory_space<vmem>>) target_semaphore(%arg10 : memref<!tpu.dma_semaphore, #tpu.memory_space<semaphore_mem>>)
      %slice3A_256 = vector.extract_strided_slice %get3A_15 {offsets = [6], sizes = [1], strides = [1]} : vector<16xi32> to vector<1xi32>
      %squeeze3A_257 = vector.extract %slice3A_256[0] : i32 from vector<1xi32>
      %jit3A_258 = arith.constant 128 : i32
      %div3A_259 = arith.divsi %squeeze3A_257, %jit3A_258 : i32
      %sign3A_260 = arith.constant 0 : i32
      %sign3A_261 = arith.cmpi sgt, %squeeze3A_257, %sign3A_260 : i32
      %sign3A_262 = arith.extui %sign3A_261 : i1 to i32
      %sign3A_263 = arith.constant 0 : i32
      %sign3A_264 = arith.cmpi slt, %squeeze3A_257, %sign3A_263 : i32
      %sign3A_265 = arith.extui %sign3A_264 : i1 to i32
      %sign3A_266 = arith.subi %sign3A_262, %sign3A_265 : i32
      %sign3A_267 = arith.constant 0 : i32
      %sign3A_268 = arith.cmpi sgt, %jit3A_258, %sign3A_267 : i32
      %sign3A_269 = arith.extui %sign3A_268 : i1 to i32
      %sign3A_270 = arith.constant 0 : i32
      %sign3A_271 = arith.cmpi slt, %jit3A_258, %sign3A_270 : i32
      %sign3A_272 = arith.extui %sign3A_271 : i1 to i32
      %sign3A_273 = arith.subi %sign3A_269, %sign3A_272 : i32
      %ne3A_274 = arith.cmpi ne, %sign3A_266, %sign3A_273 : i32
      %rem3A_275 = arith.remsi %squeeze3A_257, %jit3A_258 : i32
      %ne3A_276 = arith.constant 0 : i32
      %ne3A_277 = arith.cmpi ne, %rem3A_275, %ne3A_276 : i32
      %and3A_278 = arith.andi %ne3A_274, %ne3A_277 : i1
      %sub3A_279 = arith.constant 1 : i32
      %sub3A_280 = arith.subi %div3A_259, %sub3A_279 : i32
      %select_n3A_281 = arith.select %and3A_278, %sub3A_280, %div3A_259 : i32
      %mul3A_282 = arith.constant 128 : i32
      %mul3A_283 = arith.muli %select_n3A_281, %mul3A_282 : i32
      %multiple_of3A_284 = tpu.assume_multiple %mul3A_283, 128 : i32
      %dma_start3A_285 = arith.constant 6 : i32
      %dma_start3A_286 = arith.constant 0 : i32
      %dma_start3A_287 = arith.constant 0 : i32
      %dma_start3A_288 = tpu.memref_slice %arg8[%dma_start3A_285, %dma_start3A_286, %dma_start3A_287] : memref<8x32x128xf32, #tpu.memory_space<vmem>> -> memref<1x32x128xf32, #tpu.memory_space<vmem>>
      %dma_start3A_289 = tpu.memref_squeeze %dma_start3A_288 : memref<1x32x128xf32, #tpu.memory_space<vmem>> -> memref<32x128xf32, #tpu.memory_space<vmem>>
      %dma_start3A_290 = arith.constant 0 : i32
      %dma_start3A_291 = tpu.memref_slice %arg3[%dma_start3A_290, %multiple_of3A_284] : memref<32x1000000xf32, #tpu.memory_space<hbm>> -> memref<32x128xf32, #tpu.memory_space<hbm>>
      %dma_start3A_292 = arith.constant 0 : i32
      %dma_start3A_293 = arith.constant 0 : i32
      %dma_start3A_294 = tpu.memref_slice %arg8[%dma_start3A_285, %dma_start3A_292, %dma_start3A_293] : memref<8x32x128xf32, #tpu.memory_space<vmem>> -> memref<1x32x128xf32, #tpu.memory_space<vmem>>
      %dma_start3A_295 = tpu.memref_squeeze %dma_start3A_294 : memref<1x32x128xf32, #tpu.memory_space<vmem>> -> memref<32x128xf32, #tpu.memory_space<vmem>>
      %dma_start3A_296 = arith.constant 0 : i32
      %dma_start3A_297 = tpu.memref_slice %arg3[%dma_start3A_296, %multiple_of3A_284] : memref<32x1000000xf32, #tpu.memory_space<hbm>> -> memref<32x128xf32, #tpu.memory_space<hbm>>
      tpu.enqueue_dma source(%dma_start3A_297 : memref<32x128xf32, #tpu.memory_space<hbm>>) target(%dma_start3A_295 : memref<32x128xf32, #tpu.memory_space<vmem>>) target_semaphore(%arg10 : memref<!tpu.dma_semaphore, #tpu.memory_space<semaphore_mem>>)
      %slice3A_298 = vector.extract_strided_slice %get3A_15 {offsets = [7], sizes = [1], strides = [1]} : vector<16xi32> to vector<1xi32>
      %squeeze3A_299 = vector.extract %slice3A_298[0] : i32 from vector<1xi32>
      %jit3A_300 = arith.constant 128 : i32
      %div3A_301 = arith.divsi %squeeze3A_299, %jit3A_300 : i32
      %sign3A_302 = arith.constant 0 : i32
      %sign3A_303 = arith.cmpi sgt, %squeeze3A_299, %sign3A_302 : i32
      %sign3A_304 = arith.extui %sign3A_303 : i1 to i32
      %sign3A_305 = arith.constant 0 : i32
      %sign3A_306 = arith.cmpi slt, %squeeze3A_299, %sign3A_305 : i32
      %sign3A_307 = arith.extui %sign3A_306 : i1 to i32
      %sign3A_308 = arith.subi %sign3A_304, %sign3A_307 : i32
      %sign3A_309 = arith.constant 0 : i32
      %sign3A_310 = arith.cmpi sgt, %jit3A_300, %sign3A_309 : i32
      %sign3A_311 = arith.extui %sign3A_310 : i1 to i32
      %sign3A_312 = arith.constant 0 : i32
      %sign3A_313 = arith.cmpi slt, %jit3A_300, %sign3A_312 : i32
      %sign3A_314 = arith.extui %sign3A_313 : i1 to i32
      %sign3A_315 = arith.subi %sign3A_311, %sign3A_314 : i32
      %ne3A_316 = arith.cmpi ne, %sign3A_308, %sign3A_315 : i32
      %rem3A_317 = arith.remsi %squeeze3A_299, %jit3A_300 : i32
      %ne3A_318 = arith.constant 0 : i32
      %ne3A_319 = arith.cmpi ne, %rem3A_317, %ne3A_318 : i32
      %and3A_320 = arith.andi %ne3A_316, %ne3A_319 : i1
      %sub3A_321 = arith.constant 1 : i32
      %sub3A_322 = arith.subi %div3A_301, %sub3A_321 : i32
      %select_n3A_323 = arith.select %and3A_320, %sub3A_322, %div3A_301 : i32
      %mul3A_324 = arith.constant 128 : i32
      %mul3A_325 = arith.muli %select_n3A_323, %mul3A_324 : i32
      %multiple_of3A_326 = tpu.assume_multiple %mul3A_325, 128 : i32
      %dma_start3A_327 = arith.constant 7 : i32
      %dma_start3A_328 = arith.constant 0 : i32
      %dma_start3A_329 = arith.constant 0 : i32
      %dma_start3A_330 = tpu.memref_slice %arg8[%dma_start3A_327, %dma_start3A_328, %dma_start3A_329] : memref<8x32x128xf32, #tpu.memory_space<vmem>> -> memref<1x32x128xf32, #tpu.memory_space<vmem>>
      %dma_start3A_331 = tpu.memref_squeeze %dma_start3A_330 : memref<1x32x128xf32, #tpu.memory_space<vmem>> -> memref<32x128xf32, #tpu.memory_space<vmem>>
      %dma_start3A_332 = arith.constant 0 : i32
      %dma_start3A_333 = tpu.memref_slice %arg3[%dma_start3A_332, %multiple_of3A_326] : memref<32x1000000xf32, #tpu.memory_space<hbm>> -> memref<32x128xf32, #tpu.memory_space<hbm>>
      %dma_start3A_334 = arith.constant 0 : i32
      %dma_start3A_335 = arith.constant 0 : i32
      %dma_start3A_336 = tpu.memref_slice %arg8[%dma_start3A_327, %dma_start3A_334, %dma_start3A_335] : memref<8x32x128xf32, #tpu.memory_space<vmem>> -> memref<1x32x128xf32, #tpu.memory_space<vmem>>
      %dma_start3A_337 = tpu.memref_squeeze %dma_start3A_336 : memref<1x32x128xf32, #tpu.memory_space<vmem>> -> memref<32x128xf32, #tpu.memory_space<vmem>>
      %dma_start3A_338 = arith.constant 0 : i32
      %dma_start3A_339 = tpu.memref_slice %arg3[%dma_start3A_338, %multiple_of3A_326] : memref<32x1000000xf32, #tpu.memory_space<hbm>> -> memref<32x128xf32, #tpu.memory_space<hbm>>
      tpu.enqueue_dma source(%dma_start3A_339 : memref<32x128xf32, #tpu.memory_space<hbm>>) target(%dma_start3A_337 : memref<32x128xf32, #tpu.memory_space<vmem>>) target_semaphore(%arg10 : memref<!tpu.dma_semaphore, #tpu.memory_space<semaphore_mem>>)
      %dma_wait3A = arith.constant 0 : i32
      %dma_wait3A_340 = arith.constant 0 : i32
      %dma_wait3A_341 = arith.constant 0 : i32
      %dma_wait3A_342 = tpu.memref_slice %arg8[%dma_wait3A, %dma_wait3A_340, %dma_wait3A_341] : memref<8x32x128xf32, #tpu.memory_space<vmem>> -> memref<1x32x128xf32, #tpu.memory_space<vmem>>
      %dma_wait3A_343 = tpu.memref_squeeze %dma_wait3A_342 : memref<1x32x128xf32, #tpu.memory_space<vmem>> -> memref<32x128xf32, #tpu.memory_space<vmem>>
      %dma_wait3A_344 = arith.constant 0 : i32
      %dma_wait3A_345 = tpu.memref_slice %arg3[%dma_wait3A_344, %multiple_of3A] : memref<32x1000000xf32, #tpu.memory_space<hbm>> -> memref<32x128xf32, #tpu.memory_space<hbm>>
      %dma_wait3A_346 = arith.constant 0 : i32
      %dma_wait3A_347 = arith.constant 0 : i32
      %dma_wait3A_348 = tpu.memref_slice %arg8[%dma_wait3A, %dma_wait3A_346, %dma_wait3A_347] : memref<8x32x128xf32, #tpu.memory_space<vmem>> -> memref<1x32x128xf32, #tpu.memory_space<vmem>>
      %dma_wait3A_349 = tpu.memref_squeeze %dma_wait3A_348 : memref<1x32x128xf32, #tpu.memory_space<vmem>> -> memref<32x128xf32, #tpu.memory_space<vmem>>
      %dma_wait3A_350 = arith.constant 0 : i32
      %dma_wait3A_351 = tpu.memref_slice %arg3[%dma_wait3A_350, %multiple_of3A] : memref<32x1000000xf32, #tpu.memory_space<hbm>> -> memref<32x128xf32, #tpu.memory_space<hbm>>
      tpu.wait_dma2 semaphore(%arg10 : memref<!tpu.dma_semaphore, #tpu.memory_space<semaphore_mem>>) src(%dma_wait3A_351 : memref<32x128xf32, #tpu.memory_space<hbm>>) dst(%dma_wait3A_349 : memref<32x128xf32, #tpu.memory_space<vmem>>)
      %dma_wait3A_352 = arith.constant 1 : i32
      %dma_wait3A_353 = arith.constant 0 : i32
      %dma_wait3A_354 = arith.constant 0 : i32
      %dma_wait3A_355 = tpu.memref_slice %arg8[%dma_wait3A_352, %dma_wait3A_353, %dma_wait3A_354] : memref<8x32x128xf32, #tpu.memory_space<vmem>> -> memref<1x32x128xf32, #tpu.memory_space<vmem>>
      %dma_wait3A_356 = tpu.memref_squeeze %dma_wait3A_355 : memref<1x32x128xf32, #tpu.memory_space<vmem>> -> memref<32x128xf32, #tpu.memory_space<vmem>>
      %dma_wait3A_357 = arith.constant 0 : i32
      %dma_wait3A_358 = tpu.memref_slice %arg3[%dma_wait3A_357, %multiple_of3A_74] : memref<32x1000000xf32, #tpu.memory_space<hbm>> -> memref<32x128xf32, #tpu.memory_space<hbm>>
      %dma_wait3A_359 = arith.constant 0 : i32
      %dma_wait3A_360 = arith.constant 0 : i32
      %dma_wait3A_361 = tpu.memref_slice %arg8[%dma_wait3A_352, %dma_wait3A_359, %dma_wait3A_360] : memref<8x32x128xf32, #tpu.memory_space<vmem>> -> memref<1x32x128xf32, #tpu.memory_space<vmem>>
      %dma_wait3A_362 = tpu.memref_squeeze %dma_wait3A_361 : memref<1x32x128xf32, #tpu.memory_space<vmem>> -> memref<32x128xf32, #tpu.memory_space<vmem>>
      %dma_wait3A_363 = arith.constant 0 : i32
      %dma_wait3A_364 = tpu.memref_slice %arg3[%dma_wait3A_363, %multiple_of3A_74] : memref<32x1000000xf32, #tpu.memory_space<hbm>> -> memref<32x128xf32, #tpu.memory_space<hbm>>
      tpu.wait_dma2 semaphore(%arg10 : memref<!tpu.dma_semaphore, #tpu.memory_space<semaphore_mem>>) src(%dma_wait3A_364 : memref<32x128xf32, #tpu.memory_space<hbm>>) dst(%dma_wait3A_362 : memref<32x128xf32, #tpu.memory_space<vmem>>)
      %dma_wait3A_365 = arith.constant 2 : i32
      %dma_wait3A_366 = arith.constant 0 : i32
      %dma_wait3A_367 = arith.constant 0 : i32
      %dma_wait3A_368 = tpu.memref_slice %arg8[%dma_wait3A_365, %dma_wait3A_366, %dma_wait3A_367] : memref<8x32x128xf32, #tpu.memory_space<vmem>> -> memref<1x32x128xf32, #tpu.memory_space<vmem>>
      %dma_wait3A_369 = tpu.memref_squeeze %dma_wait3A_368 : memref<1x32x128xf32, #tpu.memory_space<vmem>> -> memref<32x128xf32, #tpu.memory_space<vmem>>
      %dma_wait3A_370 = arith.constant 0 : i32
      %dma_wait3A_371 = tpu.memref_slice %arg3[%dma_wait3A_370, %multiple_of3A_116] : memref<32x1000000xf32, #tpu.memory_space<hbm>> -> memref<32x128xf32, #tpu.memory_space<hbm>>
      %dma_wait3A_372 = arith.constant 0 : i32
      %dma_wait3A_373 = arith.constant 0 : i32
      %dma_wait3A_374 = tpu.memref_slice %arg8[%dma_wait3A_365, %dma_wait3A_372, %dma_wait3A_373] : memref<8x32x128xf32, #tpu.memory_space<vmem>> -> memref<1x32x128xf32, #tpu.memory_space<vmem>>
      %dma_wait3A_375 = tpu.memref_squeeze %dma_wait3A_374 : memref<1x32x128xf32, #tpu.memory_space<vmem>> -> memref<32x128xf32, #tpu.memory_space<vmem>>
      %dma_wait3A_376 = arith.constant 0 : i32
      %dma_wait3A_377 = tpu.memref_slice %arg3[%dma_wait3A_376, %multiple_of3A_116] : memref<32x1000000xf32, #tpu.memory_space<hbm>> -> memref<32x128xf32, #tpu.memory_space<hbm>>
      tpu.wait_dma2 semaphore(%arg10 : memref<!tpu.dma_semaphore, #tpu.memory_space<semaphore_mem>>) src(%dma_wait3A_377 : memref<32x128xf32, #tpu.memory_space<hbm>>) dst(%dma_wait3A_375 : memref<32x128xf32, #tpu.memory_space<vmem>>)
      %dma_wait3A_378 = arith.constant 3 : i32
      %dma_wait3A_379 = arith.constant 0 : i32
      %dma_wait3A_380 = arith.constant 0 : i32
      %dma_wait3A_381 = tpu.memref_slice %arg8[%dma_wait3A_378, %dma_wait3A_379, %dma_wait3A_380] : memref<8x32x128xf32, #tpu.memory_space<vmem>> -> memref<1x32x128xf32, #tpu.memory_space<vmem>>
      %dma_wait3A_382 = tpu.memref_squeeze %dma_wait3A_381 : memref<1x32x128xf32, #tpu.memory_space<vmem>> -> memref<32x128xf32, #tpu.memory_space<vmem>>
      %dma_wait3A_383 = arith.constant 0 : i32
      %dma_wait3A_384 = tpu.memref_slice %arg3[%dma_wait3A_383, %multiple_of3A_158] : memref<32x1000000xf32, #tpu.memory_space<hbm>> -> memref<32x128xf32, #tpu.memory_space<hbm>>
      %dma_wait3A_385 = arith.constant 0 : i32
      %dma_wait3A_386 = arith.constant 0 : i32
      %dma_wait3A_387 = tpu.memref_slice %arg8[%dma_wait3A_378, %dma_wait3A_385, %dma_wait3A_386] : memref<8x32x128xf32, #tpu.memory_space<vmem>> -> memref<1x32x128xf32, #tpu.memory_space<vmem>>
      %dma_wait3A_388 = tpu.memref_squeeze %dma_wait3A_387 : memref<1x32x128xf32, #tpu.memory_space<vmem>> -> memref<32x128xf32, #tpu.memory_space<vmem>>
      %dma_wait3A_389 = arith.constant 0 : i32
      %dma_wait3A_390 = tpu.memref_slice %arg3[%dma_wait3A_389, %multiple_of3A_158] : memref<32x1000000xf32, #tpu.memory_space<hbm>> -> memref<32x128xf32, #tpu.memory_space<hbm>>
      tpu.wait_dma2 semaphore(%arg10 : memref<!tpu.dma_semaphore, #tpu.memory_space<semaphore_mem>>) src(%dma_wait3A_390 : memref<32x128xf32, #tpu.memory_space<hbm>>) dst(%dma_wait3A_388 : memref<32x128xf32, #tpu.memory_space<vmem>>)
      %dma_wait3A_391 = arith.constant 4 : i32
      %dma_wait3A_392 = arith.constant 0 : i32
      %dma_wait3A_393 = arith.constant 0 : i32
      %dma_wait3A_394 = tpu.memref_slice %arg8[%dma_wait3A_391, %dma_wait3A_392, %dma_wait3A_393] : memref<8x32x128xf32, #tpu.memory_space<vmem>> -> memref<1x32x128xf32, #tpu.memory_space<vmem>>
      %dma_wait3A_395 = tpu.memref_squeeze %dma_wait3A_394 : memref<1x32x128xf32, #tpu.memory_space<vmem>> -> memref<32x128xf32, #tpu.memory_space<vmem>>
      %dma_wait3A_396 = arith.constant 0 : i32
      %dma_wait3A_397 = tpu.memref_slice %arg3[%dma_wait3A_396, %multiple_of3A_200] : memref<32x1000000xf32, #tpu.memory_space<hbm>> -> memref<32x128xf32, #tpu.memory_space<hbm>>
      %dma_wait3A_398 = arith.constant 0 : i32
      %dma_wait3A_399 = arith.constant 0 : i32
      %dma_wait3A_400 = tpu.memref_slice %arg8[%dma_wait3A_391, %dma_wait3A_398, %dma_wait3A_399] : memref<8x32x128xf32, #tpu.memory_space<vmem>> -> memref<1x32x128xf32, #tpu.memory_space<vmem>>
      %dma_wait3A_401 = tpu.memref_squeeze %dma_wait3A_400 : memref<1x32x128xf32, #tpu.memory_space<vmem>> -> memref<32x128xf32, #tpu.memory_space<vmem>>
      %dma_wait3A_402 = arith.constant 0 : i32
      %dma_wait3A_403 = tpu.memref_slice %arg3[%dma_wait3A_402, %multiple_of3A_200] : memref<32x1000000xf32, #tpu.memory_space<hbm>> -> memref<32x128xf32, #tpu.memory_space<hbm>>
      tpu.wait_dma2 semaphore(%arg10 : memref<!tpu.dma_semaphore, #tpu.memory_space<semaphore_mem>>) src(%dma_wait3A_403 : memref<32x128xf32, #tpu.memory_space<hbm>>) dst(%dma_wait3A_401 : memref<32x128xf32, #tpu.memory_space<vmem>>)
      %dma_wait3A_404 = arith.constant 5 : i32
      %dma_wait3A_405 = arith.constant 0 : i32
      %dma_wait3A_406 = arith.constant 0 : i32
      %dma_wait3A_407 = tpu.memref_slice %arg8[%dma_wait3A_404, %dma_wait3A_405, %dma_wait3A_406] : memref<8x32x128xf32, #tpu.memory_space<vmem>> -> memref<1x32x128xf32, #tpu.memory_space<vmem>>
      %dma_wait3A_408 = tpu.memref_squeeze %dma_wait3A_407 : memref<1x32x128xf32, #tpu.memory_space<vmem>> -> memref<32x128xf32, #tpu.memory_space<vmem>>
      %dma_wait3A_409 = arith.constant 0 : i32
      %dma_wait3A_410 = tpu.memref_slice %arg3[%dma_wait3A_409, %multiple_of3A_242] : memref<32x1000000xf32, #tpu.memory_space<hbm>> -> memref<32x128xf32, #tpu.memory_space<hbm>>
      %dma_wait3A_411 = arith.constant 0 : i32
      %dma_wait3A_412 = arith.constant 0 : i32
      %dma_wait3A_413 = tpu.memref_slice %arg8[%dma_wait3A_404, %dma_wait3A_411, %dma_wait3A_412] : memref<8x32x128xf32, #tpu.memory_space<vmem>> -> memref<1x32x128xf32, #tpu.memory_space<vmem>>
      %dma_wait3A_414 = tpu.memref_squeeze %dma_wait3A_413 : memref<1x32x128xf32, #tpu.memory_space<vmem>> -> memref<32x128xf32, #tpu.memory_space<vmem>>
      %dma_wait3A_415 = arith.constant 0 : i32
      %dma_wait3A_416 = tpu.memref_slice %arg3[%dma_wait3A_415, %multiple_of3A_242] : memref<32x1000000xf32, #tpu.memory_space<hbm>> -> memref<32x128xf32, #tpu.memory_space<hbm>>
      tpu.wait_dma2 semaphore(%arg10 : memref<!tpu.dma_semaphore, #tpu.memory_space<semaphore_mem>>) src(%dma_wait3A_416 : memref<32x128xf32, #tpu.memory_space<hbm>>) dst(%dma_wait3A_414 : memref<32x128xf32, #tpu.memory_space<vmem>>)
      %dma_wait3A_417 = arith.constant 6 : i32
      %dma_wait3A_418 = arith.constant 0 : i32
      %dma_wait3A_419 = arith.constant 0 : i32
      %dma_wait3A_420 = tpu.memref_slice %arg8[%dma_wait3A_417, %dma_wait3A_418, %dma_wait3A_419] : memref<8x32x128xf32, #tpu.memory_space<vmem>> -> memref<1x32x128xf32, #tpu.memory_space<vmem>>
      %dma_wait3A_421 = tpu.memref_squeeze %dma_wait3A_420 : memref<1x32x128xf32, #tpu.memory_space<vmem>> -> memref<32x128xf32, #tpu.memory_space<vmem>>
      %dma_wait3A_422 = arith.constant 0 : i32
      %dma_wait3A_423 = tpu.memref_slice %arg3[%dma_wait3A_422, %multiple_of3A_284] : memref<32x1000000xf32, #tpu.memory_space<hbm>> -> memref<32x128xf32, #tpu.memory_space<hbm>>
      %dma_wait3A_424 = arith.constant 0 : i32
      %dma_wait3A_425 = arith.constant 0 : i32
      %dma_wait3A_426 = tpu.memref_slice %arg8[%dma_wait3A_417, %dma_wait3A_424, %dma_wait3A_425] : memref<8x32x128xf32, #tpu.memory_space<vmem>> -> memref<1x32x128xf32, #tpu.memory_space<vmem>>
      %dma_wait3A_427 = tpu.memref_squeeze %dma_wait3A_426 : memref<1x32x128xf32, #tpu.memory_space<vmem>> -> memref<32x128xf32, #tpu.memory_space<vmem>>
      %dma_wait3A_428 = arith.constant 0 : i32
      %dma_wait3A_429 = tpu.memref_slice %arg3[%dma_wait3A_428, %multiple_of3A_284] : memref<32x1000000xf32, #tpu.memory_space<hbm>> -> memref<32x128xf32, #tpu.memory_space<hbm>>
      tpu.wait_dma2 semaphore(%arg10 : memref<!tpu.dma_semaphore, #tpu.memory_space<semaphore_mem>>) src(%dma_wait3A_429 : memref<32x128xf32, #tpu.memory_space<hbm>>) dst(%dma_wait3A_427 : memref<32x128xf32, #tpu.memory_space<vmem>>)
      %dma_wait3A_430 = arith.constant 7 : i32
      %dma_wait3A_431 = arith.constant 0 : i32
      %dma_wait3A_432 = arith.constant 0 : i32
      %dma_wait3A_433 = tpu.memref_slice %arg8[%dma_wait3A_430, %dma_wait3A_431, %dma_wait3A_432] : memref<8x32x128xf32, #tpu.memory_space<vmem>> -> memref<1x32x128xf32, #tpu.memory_space<vmem>>
      %dma_wait3A_434 = tpu.memref_squeeze %dma_wait3A_433 : memref<1x32x128xf32, #tpu.memory_space<vmem>> -> memref<32x128xf32, #tpu.memory_space<vmem>>
      %dma_wait3A_435 = arith.constant 0 : i32
      %dma_wait3A_436 = tpu.memref_slice %arg3[%dma_wait3A_435, %multiple_of3A_326] : memref<32x1000000xf32, #tpu.memory_space<hbm>> -> memref<32x128xf32, #tpu.memory_space<hbm>>
      %dma_wait3A_437 = arith.constant 0 : i32
      %dma_wait3A_438 = arith.constant 0 : i32
      %dma_wait3A_439 = tpu.memref_slice %arg8[%dma_wait3A_430, %dma_wait3A_437, %dma_wait3A_438] : memref<8x32x128xf32, #tpu.memory_space<vmem>> -> memref<1x32x128xf32, #tpu.memory_space<vmem>>
      %dma_wait3A_440 = tpu.memref_squeeze %dma_wait3A_439 : memref<1x32x128xf32, #tpu.memory_space<vmem>> -> memref<32x128xf32, #tpu.memory_space<vmem>>
      %dma_wait3A_441 = arith.constant 0 : i32
      %dma_wait3A_442 = tpu.memref_slice %arg3[%dma_wait3A_441, %multiple_of3A_326] : memref<32x1000000xf32, #tpu.memory_space<hbm>> -> memref<32x128xf32, #tpu.memory_space<hbm>>
      tpu.wait_dma2 semaphore(%arg10 : memref<!tpu.dma_semaphore, #tpu.memory_space<semaphore_mem>>) src(%dma_wait3A_442 : memref<32x128xf32, #tpu.memory_space<hbm>>) dst(%dma_wait3A_440 : memref<32x128xf32, #tpu.memory_space<vmem>>)
      %and3A_443 = arith.constant 1 : i32
      %and3A_444 = arith.andi %scan3A_11, %and3A_443 : i32
      %mul3A_445 = arith.constant 8 : i32
      %mul3A_446 = arith.muli %and3A_444, %mul3A_445 : i32
      %slice3A_447 = vector.extract_strided_slice %get3A_15 {offsets = [0], sizes = [1], strides = [1]} : vector<16xi32> to vector<1xi32>
      %squeeze3A_448 = vector.extract %slice3A_447[0] : i32 from vector<1xi32>
      %jit3A_449 = arith.constant 128 : i32
      %eq3A = arith.constant 0 : i32
      %eq3A_450 = arith.cmpi eq, %jit3A_449, %eq3A : i32
      %jit3A_451 = arith.constant 1 : i32
      %select_n3A_452 = arith.select %eq3A_450, %jit3A_451, %jit3A_449 : i32
      %rem3A_453 = arith.remsi %squeeze3A_448, %select_n3A_452 : i32
      %ne3A_454 = arith.constant 0 : i32
      %ne3A_455 = arith.cmpi ne, %rem3A_453, %ne3A_454 : i32
      %lt3A = arith.constant 0 : i32
      %lt3A_456 = arith.cmpi slt, %rem3A_453, %lt3A : i32
      %lt3A_457 = arith.constant 0 : i32
      %lt3A_458 = arith.cmpi slt, %select_n3A_452, %lt3A_457 : i32
      %ne3A_459 = arith.xori %lt3A_456, %lt3A_458 : i1
      %and3A_460 = arith.andi %ne3A_459, %ne3A_455 : i1
      %add3A_461 = arith.addi %rem3A_453, %select_n3A_452 : i32
      %select_n3A_462 = arith.select %and3A_460, %add3A_461, %rem3A_453 : i32
      %broadcast_in_dim3A_463 = arith.constant 0 : i32
      %broadcast_in_dim3A_464 = vector.broadcast %broadcast_in_dim3A_463 : i32 to vector<16xi32>
      %broadcast_in_dim3A_465 = vector.broadcast %select_n3A_462 : i32 to vector<16xi32>
      %gather3A = tpu.vector_load_idx %arg8[%broadcast_in_dim3A_464, %iota3A, %broadcast_in_dim3A_465] : memref<8x32x128xf32, #tpu.memory_space<vmem>>[vector<16xi32>, vector<16xi32>, vector<16xi32>], vector<16xf32>,
      %add3A_466 = arith.constant 16 : i32
      %add3A_467 = vector.broadcast %add3A_466 : i32 to vector<16xi32>
      %add3A_468 = arith.addi %iota3A, %add3A_467 : vector<16xi32>
      %broadcast_in_dim3A_469 = vector.broadcast %select_n3A_462 : i32 to vector<16xi32>
      %gather3A_470 = tpu.vector_load_idx %arg8[%broadcast_in_dim3A_464, %add3A_468, %broadcast_in_dim3A_469] : memref<8x32x128xf32, #tpu.memory_space<vmem>>[vector<16xi32>, vector<16xi32>, vector<16xi32>], vector<16xf32>,
      %add3A_471 = arith.constant 0 : i32
      %add3A_472 = arith.addi %mul3A_14, %add3A_471 : i32
      %mul3A_473 = arith.constant 32 : i32
      %mul3A_474 = arith.muli %add3A_472, %mul3A_473 : i32
      %get3A_475 = arith.index_cast %mul3A_474 : i32 to index
      %get3A_476 = tpu.vector_load %arg7[%get3A_475] {strides = array<i32>} : memref<16384xf32, #tpu.memory_space<vmem>>, vector<16xf32>,
      %add3A_477 = arith.constant 0 : i32
      %add3A_478 = arith.addi %mul3A_14, %add3A_477 : i32
      %mul3A_479 = arith.constant 32 : i32
      %mul3A_480 = arith.muli %add3A_478, %mul3A_479 : i32
      %add3A_481 = arith.constant 16 : i32
      %add3A_482 = arith.addi %mul3A_480, %add3A_481 : i32
      %get3A_483 = arith.index_cast %add3A_482 : i32 to index
      %get3A_484 = tpu.vector_load %arg7[%get3A_483] {strides = array<i32>} : memref<16384xf32, #tpu.memory_space<vmem>>, vector<16xf32>,
      %mul3A_485 = arith.mulf %gather3A, %get3A_476 : vector<16xf32>
      %mul3A_486 = arith.mulf %gather3A_470, %get3A_484 : vector<16xf32>
      %add3A_487 = arith.addf %mul3A_485, %mul3A_486 : vector<16xf32>
      %add3A_488 = arith.constant 0 : i32
      %add3A_489 = arith.addi %mul3A_446, %add3A_488 : i32
      %eq3A_490 = vector.broadcast %add3A_489 : i32 to vector<16xi32>
      %eq3A_491 = arith.cmpi eq, %iota3A, %eq3A_490 : vector<16xi32>
      %reduce_sum3A = arith.constant true
      %reduce_sum3A_492 = vector.broadcast %reduce_sum3A : i1 to vector<16xi1>
      %reduce_sum3A_493 = tpu.scan <sum>, %add3A_487 masked %reduce_sum3A_492 : vector<16xf32>, vector<16xi1> -> vector<16xf32>
      %reduce_sum3A_494 = vector.extract %reduce_sum3A_493[15] : f32 from vector<16xf32>
      %broadcast_in_dim3A_495 = vector.broadcast %reduce_sum3A_494 : f32 to vector<16xf32>
      %select_n3A_496 = arith.select %eq3A_491, %broadcast_in_dim3A_495, %scan3A_12 : vector<16xi1>, vector<16xf32>
      %slice3A_497 = vector.extract_strided_slice %get3A_15 {offsets = [1], sizes = [1], strides = [1]} : vector<16xi32> to vector<1xi32>
      %squeeze3A_498 = vector.extract %slice3A_497[0] : i32 from vector<1xi32>
      %jit3A_499 = arith.constant 128 : i32
      %eq3A_500 = arith.constant 0 : i32
      %eq3A_501 = arith.cmpi eq, %jit3A_499, %eq3A_500 : i32
      %jit3A_502 = arith.constant 1 : i32
      %select_n3A_503 = arith.select %eq3A_501, %jit3A_502, %jit3A_499 : i32
      %rem3A_504 = arith.remsi %squeeze3A_498, %select_n3A_503 : i32
      %ne3A_505 = arith.constant 0 : i32
      %ne3A_506 = arith.cmpi ne, %rem3A_504, %ne3A_505 : i32
      %lt3A_507 = arith.constant 0 : i32
      %lt3A_508 = arith.cmpi slt, %rem3A_504, %lt3A_507 : i32
      %lt3A_509 = arith.constant 0 : i32
      %lt3A_510 = arith.cmpi slt, %select_n3A_503, %lt3A_509 : i32
      %ne3A_511 = arith.xori %lt3A_508, %lt3A_510 : i1
      %and3A_512 = arith.andi %ne3A_511, %ne3A_506 : i1
      %add3A_513 = arith.addi %rem3A_504, %select_n3A_503 : i32
      %select_n3A_514 = arith.select %and3A_512, %add3A_513, %rem3A_504 : i32
      %broadcast_in_dim3A_515 = arith.constant 1 : i32
      %broadcast_in_dim3A_516 = vector.broadcast %broadcast_in_dim3A_515 : i32 to vector<16xi32>
      %broadcast_in_dim3A_517 = vector.broadcast %select_n3A_514 : i32 to vector<16xi32>
      %gather3A_518 = tpu.vector_load_idx %arg8[%broadcast_in_dim3A_516, %iota3A, %broadcast_in_dim3A_517] : memref<8x32x128xf32, #tpu.memory_space<vmem>>[vector<16xi32>, vector<16xi32>, vector<16xi32>], vector<16xf32>,
      %add3A_519 = arith.constant 16 : i32
      %add3A_520 = vector.broadcast %add3A_519 : i32 to vector<16xi32>
      %add3A_521 = arith.addi %iota3A, %add3A_520 : vector<16xi32>
      %broadcast_in_dim3A_522 = vector.broadcast %select_n3A_514 : i32 to vector<16xi32>
      %gather3A_523 = tpu.vector_load_idx %arg8[%broadcast_in_dim3A_516, %add3A_521, %broadcast_in_dim3A_522] : memref<8x32x128xf32, #tpu.memory_space<vmem>>[vector<16xi32>, vector<16xi32>, vector<16xi32>], vector<16xf32>,
      %add3A_524 = arith.constant 1 : i32
      %add3A_525 = arith.addi %mul3A_14, %add3A_524 : i32
      %mul3A_526 = arith.constant 32 : i32
      %mul3A_527 = arith.muli %add3A_525, %mul3A_526 : i32
      %get3A_528 = arith.index_cast %mul3A_527 : i32 to index
      %get3A_529 = tpu.vector_load %arg7[%get3A_528] {strides = array<i32>} : memref<16384xf32, #tpu.memory_space<vmem>>, vector<16xf32>,
      %add3A_530 = arith.constant 1 : i32
      %add3A_531 = arith.addi %mul3A_14, %add3A_530 : i32
      %mul3A_532 = arith.constant 32 : i32
      %mul3A_533 = arith.muli %add3A_531, %mul3A_532 : i32
      %add3A_534 = arith.constant 16 : i32
      %add3A_535 = arith.addi %mul3A_533, %add3A_534 : i32
      %get3A_536 = arith.index_cast %add3A_535 : i32 to index
      %get3A_537 = tpu.vector_load %arg7[%get3A_536] {strides = array<i32>} : memref<16384xf32, #tpu.memory_space<vmem>>, vector<16xf32>,
      %mul3A_538 = arith.mulf %gather3A_518, %get3A_529 : vector<16xf32>
      %mul3A_539 = arith.mulf %gather3A_523, %get3A_537 : vector<16xf32>
      %add3A_540 = arith.addf %mul3A_538, %mul3A_539 : vector<16xf32>
      %add3A_541 = arith.constant 1 : i32
      %add3A_542 = arith.addi %mul3A_446, %add3A_541 : i32
      %eq3A_543 = vector.broadcast %add3A_542 : i32 to vector<16xi32>
      %eq3A_544 = arith.cmpi eq, %iota3A, %eq3A_543 : vector<16xi32>
      %reduce_sum3A_545 = arith.constant true
      %reduce_sum3A_546 = vector.broadcast %reduce_sum3A_545 : i1 to vector<16xi1>
      %reduce_sum3A_547 = tpu.scan <sum>, %add3A_540 masked %reduce_sum3A_546 : vector<16xf32>, vector<16xi1> -> vector<16xf32>
      %reduce_sum3A_548 = vector.extract %reduce_sum3A_547[15] : f32 from vector<16xf32>
      %broadcast_in_dim3A_549 = vector.broadcast %reduce_sum3A_548 : f32 to vector<16xf32>
      %select_n3A_550 = arith.select %eq3A_544, %broadcast_in_dim3A_549, %select_n3A_496 : vector<16xi1>, vector<16xf32>
      %slice3A_551 = vector.extract_strided_slice %get3A_15 {offsets = [2], sizes = [1], strides = [1]} : vector<16xi32> to vector<1xi32>
      %squeeze3A_552 = vector.extract %slice3A_551[0] : i32 from vector<1xi32>
      %jit3A_553 = arith.constant 128 : i32
      %eq3A_554 = arith.constant 0 : i32
      %eq3A_555 = arith.cmpi eq, %jit3A_553, %eq3A_554 : i32
      %jit3A_556 = arith.constant 1 : i32
      %select_n3A_557 = arith.select %eq3A_555, %jit3A_556, %jit3A_553 : i32
      %rem3A_558 = arith.remsi %squeeze3A_552, %select_n3A_557 : i32
      %ne3A_559 = arith.constant 0 : i32
      %ne3A_560 = arith.cmpi ne, %rem3A_558, %ne3A_559 : i32
      %lt3A_561 = arith.constant 0 : i32
      %lt3A_562 = arith.cmpi slt, %rem3A_558, %lt3A_561 : i32
      %lt3A_563 = arith.constant 0 : i32
      %lt3A_564 = arith.cmpi slt, %select_n3A_557, %lt3A_563 : i32
      %ne3A_565 = arith.xori %lt3A_562, %lt3A_564 : i1
      %and3A_566 = arith.andi %ne3A_565, %ne3A_560 : i1
      %add3A_567 = arith.addi %rem3A_558, %select_n3A_557 : i32
      %select_n3A_568 = arith.select %and3A_566, %add3A_567, %rem3A_558 : i32
      %broadcast_in_dim3A_569 = arith.constant 2 : i32
      %broadcast_in_dim3A_570 = vector.broadcast %broadcast_in_dim3A_569 : i32 to vector<16xi32>
      %broadcast_in_dim3A_571 = vector.broadcast %select_n3A_568 : i32 to vector<16xi32>
      %gather3A_572 = tpu.vector_load_idx %arg8[%broadcast_in_dim3A_570, %iota3A, %broadcast_in_dim3A_571] : memref<8x32x128xf32, #tpu.memory_space<vmem>>[vector<16xi32>, vector<16xi32>, vector<16xi32>], vector<16xf32>,
      %add3A_573 = arith.constant 16 : i32
      %add3A_574 = vector.broadcast %add3A_573 : i32 to vector<16xi32>
      %add3A_575 = arith.addi %iota3A, %add3A_574 : vector<16xi32>
      %broadcast_in_dim3A_576 = vector.broadcast %select_n3A_568 : i32 to vector<16xi32>
      %gather3A_577 = tpu.vector_load_idx %arg8[%broadcast_in_dim3A_570, %add3A_575, %broadcast_in_dim3A_576] : memref<8x32x128xf32, #tpu.memory_space<vmem>>[vector<16xi32>, vector<16xi32>, vector<16xi32>], vector<16xf32>,
      %add3A_578 = arith.constant 2 : i32
      %add3A_579 = arith.addi %mul3A_14, %add3A_578 : i32
      %mul3A_580 = arith.constant 32 : i32
      %mul3A_581 = arith.muli %add3A_579, %mul3A_580 : i32
      %get3A_582 = arith.index_cast %mul3A_581 : i32 to index
      %get3A_583 = tpu.vector_load %arg7[%get3A_582] {strides = array<i32>} : memref<16384xf32, #tpu.memory_space<vmem>>, vector<16xf32>,
      %add3A_584 = arith.constant 2 : i32
      %add3A_585 = arith.addi %mul3A_14, %add3A_584 : i32
      %mul3A_586 = arith.constant 32 : i32
      %mul3A_587 = arith.muli %add3A_585, %mul3A_586 : i32
      %add3A_588 = arith.constant 16 : i32
      %add3A_589 = arith.addi %mul3A_587, %add3A_588 : i32
      %get3A_590 = arith.index_cast %add3A_589 : i32 to index
      %get3A_591 = tpu.vector_load %arg7[%get3A_590] {strides = array<i32>} : memref<16384xf32, #tpu.memory_space<vmem>>, vector<16xf32>,
      %mul3A_592 = arith.mulf %gather3A_572, %get3A_583 : vector<16xf32>
      %mul3A_593 = arith.mulf %gather3A_577, %get3A_591 : vector<16xf32>
      %add3A_594 = arith.addf %mul3A_592, %mul3A_593 : vector<16xf32>
      %add3A_595 = arith.constant 2 : i32
      %add3A_596 = arith.addi %mul3A_446, %add3A_595 : i32
      %eq3A_597 = vector.broadcast %add3A_596 : i32 to vector<16xi32>
      %eq3A_598 = arith.cmpi eq, %iota3A, %eq3A_597 : vector<16xi32>
      %reduce_sum3A_599 = arith.constant true
      %reduce_sum3A_600 = vector.broadcast %reduce_sum3A_599 : i1 to vector<16xi1>
      %reduce_sum3A_601 = tpu.scan <sum>, %add3A_594 masked %reduce_sum3A_600 : vector<16xf32>, vector<16xi1> -> vector<16xf32>
      %reduce_sum3A_602 = vector.extract %reduce_sum3A_601[15] : f32 from vector<16xf32>
      %broadcast_in_dim3A_603 = vector.broadcast %reduce_sum3A_602 : f32 to vector<16xf32>
      %select_n3A_604 = arith.select %eq3A_598, %broadcast_in_dim3A_603, %select_n3A_550 : vector<16xi1>, vector<16xf32>
      %slice3A_605 = vector.extract_strided_slice %get3A_15 {offsets = [3], sizes = [1], strides = [1]} : vector<16xi32> to vector<1xi32>
      %squeeze3A_606 = vector.extract %slice3A_605[0] : i32 from vector<1xi32>
      %jit3A_607 = arith.constant 128 : i32
      %eq3A_608 = arith.constant 0 : i32
      %eq3A_609 = arith.cmpi eq, %jit3A_607, %eq3A_608 : i32
      %jit3A_610 = arith.constant 1 : i32
      %select_n3A_611 = arith.select %eq3A_609, %jit3A_610, %jit3A_607 : i32
      %rem3A_612 = arith.remsi %squeeze3A_606, %select_n3A_611 : i32
      %ne3A_613 = arith.constant 0 : i32
      %ne3A_614 = arith.cmpi ne, %rem3A_612, %ne3A_613 : i32
      %lt3A_615 = arith.constant 0 : i32
      %lt3A_616 = arith.cmpi slt, %rem3A_612, %lt3A_615 : i32
      %lt3A_617 = arith.constant 0 : i32
      %lt3A_618 = arith.cmpi slt, %select_n3A_611, %lt3A_617 : i32
      %ne3A_619 = arith.xori %lt3A_616, %lt3A_618 : i1
      %and3A_620 = arith.andi %ne3A_619, %ne3A_614 : i1
      %add3A_621 = arith.addi %rem3A_612, %select_n3A_611 : i32
      %select_n3A_622 = arith.select %and3A_620, %add3A_621, %rem3A_612 : i32
      %broadcast_in_dim3A_623 = arith.constant 3 : i32
      %broadcast_in_dim3A_624 = vector.broadcast %broadcast_in_dim3A_623 : i32 to vector<16xi32>
      %broadcast_in_dim3A_625 = vector.broadcast %select_n3A_622 : i32 to vector<16xi32>
      %gather3A_626 = tpu.vector_load_idx %arg8[%broadcast_in_dim3A_624, %iota3A, %broadcast_in_dim3A_625] : memref<8x32x128xf32, #tpu.memory_space<vmem>>[vector<16xi32>, vector<16xi32>, vector<16xi32>], vector<16xf32>,
      %add3A_627 = arith.constant 16 : i32
      %add3A_628 = vector.broadcast %add3A_627 : i32 to vector<16xi32>
      %add3A_629 = arith.addi %iota3A, %add3A_628 : vector<16xi32>
      %broadcast_in_dim3A_630 = vector.broadcast %select_n3A_622 : i32 to vector<16xi32>
      %gather3A_631 = tpu.vector_load_idx %arg8[%broadcast_in_dim3A_624, %add3A_629, %broadcast_in_dim3A_630] : memref<8x32x128xf32, #tpu.memory_space<vmem>>[vector<16xi32>, vector<16xi32>, vector<16xi32>], vector<16xf32>,
      %add3A_632 = arith.constant 3 : i32
      %add3A_633 = arith.addi %mul3A_14, %add3A_632 : i32
      %mul3A_634 = arith.constant 32 : i32
      %mul3A_635 = arith.muli %add3A_633, %mul3A_634 : i32
      %get3A_636 = arith.index_cast %mul3A_635 : i32 to index
      %get3A_637 = tpu.vector_load %arg7[%get3A_636] {strides = array<i32>} : memref<16384xf32, #tpu.memory_space<vmem>>, vector<16xf32>,
      %add3A_638 = arith.constant 3 : i32
      %add3A_639 = arith.addi %mul3A_14, %add3A_638 : i32
      %mul3A_640 = arith.constant 32 : i32
      %mul3A_641 = arith.muli %add3A_639, %mul3A_640 : i32
      %add3A_642 = arith.constant 16 : i32
      %add3A_643 = arith.addi %mul3A_641, %add3A_642 : i32
      %get3A_644 = arith.index_cast %add3A_643 : i32 to index
      %get3A_645 = tpu.vector_load %arg7[%get3A_644] {strides = array<i32>} : memref<16384xf32, #tpu.memory_space<vmem>>, vector<16xf32>,
      %mul3A_646 = arith.mulf %gather3A_626, %get3A_637 : vector<16xf32>
      %mul3A_647 = arith.mulf %gather3A_631, %get3A_645 : vector<16xf32>
      %add3A_648 = arith.addf %mul3A_646, %mul3A_647 : vector<16xf32>
      %add3A_649 = arith.constant 3 : i32
      %add3A_650 = arith.addi %mul3A_446, %add3A_649 : i32
      %eq3A_651 = vector.broadcast %add3A_650 : i32 to vector<16xi32>
      %eq3A_652 = arith.cmpi eq, %iota3A, %eq3A_651 : vector<16xi32>
      %reduce_sum3A_653 = arith.constant true
      %reduce_sum3A_654 = vector.broadcast %reduce_sum3A_653 : i1 to vector<16xi1>
      %reduce_sum3A_655 = tpu.scan <sum>, %add3A_648 masked %reduce_sum3A_654 : vector<16xf32>, vector<16xi1> -> vector<16xf32>
      %reduce_sum3A_656 = vector.extract %reduce_sum3A_655[15] : f32 from vector<16xf32>
      %broadcast_in_dim3A_657 = vector.broadcast %reduce_sum3A_656 : f32 to vector<16xf32>
      %select_n3A_658 = arith.select %eq3A_652, %broadcast_in_dim3A_657, %select_n3A_604 : vector<16xi1>, vector<16xf32>
      %slice3A_659 = vector.extract_strided_slice %get3A_15 {offsets = [4], sizes = [1], strides = [1]} : vector<16xi32> to vector<1xi32>
      %squeeze3A_660 = vector.extract %slice3A_659[0] : i32 from vector<1xi32>
      %jit3A_661 = arith.constant 128 : i32
      %eq3A_662 = arith.constant 0 : i32
      %eq3A_663 = arith.cmpi eq, %jit3A_661, %eq3A_662 : i32
      %jit3A_664 = arith.constant 1 : i32
      %select_n3A_665 = arith.select %eq3A_663, %jit3A_664, %jit3A_661 : i32
      %rem3A_666 = arith.remsi %squeeze3A_660, %select_n3A_665 : i32
      %ne3A_667 = arith.constant 0 : i32
      %ne3A_668 = arith.cmpi ne, %rem3A_666, %ne3A_667 : i32
      %lt3A_669 = arith.constant 0 : i32
      %lt3A_670 = arith.cmpi slt, %rem3A_666, %lt3A_669 : i32
      %lt3A_671 = arith.constant 0 : i32
      %lt3A_672 = arith.cmpi slt, %select_n3A_665, %lt3A_671 : i32
      %ne3A_673 = arith.xori %lt3A_670, %lt3A_672 : i1
      %and3A_674 = arith.andi %ne3A_673, %ne3A_668 : i1
      %add3A_675 = arith.addi %rem3A_666, %select_n3A_665 : i32
      %select_n3A_676 = arith.select %and3A_674, %add3A_675, %rem3A_666 : i32
      %broadcast_in_dim3A_677 = arith.constant 4 : i32
      %broadcast_in_dim3A_678 = vector.broadcast %broadcast_in_dim3A_677 : i32 to vector<16xi32>
      %broadcast_in_dim3A_679 = vector.broadcast %select_n3A_676 : i32 to vector<16xi32>
      %gather3A_680 = tpu.vector_load_idx %arg8[%broadcast_in_dim3A_678, %iota3A, %broadcast_in_dim3A_679] : memref<8x32x128xf32, #tpu.memory_space<vmem>>[vector<16xi32>, vector<16xi32>, vector<16xi32>], vector<16xf32>,
      %add3A_681 = arith.constant 16 : i32
      %add3A_682 = vector.broadcast %add3A_681 : i32 to vector<16xi32>
      %add3A_683 = arith.addi %iota3A, %add3A_682 : vector<16xi32>
      %broadcast_in_dim3A_684 = vector.broadcast %select_n3A_676 : i32 to vector<16xi32>
      %gather3A_685 = tpu.vector_load_idx %arg8[%broadcast_in_dim3A_678, %add3A_683, %broadcast_in_dim3A_684] : memref<8x32x128xf32, #tpu.memory_space<vmem>>[vector<16xi32>, vector<16xi32>, vector<16xi32>], vector<16xf32>,
      %add3A_686 = arith.constant 4 : i32
      %add3A_687 = arith.addi %mul3A_14, %add3A_686 : i32
      %mul3A_688 = arith.constant 32 : i32
      %mul3A_689 = arith.muli %add3A_687, %mul3A_688 : i32
      %get3A_690 = arith.index_cast %mul3A_689 : i32 to index
      %get3A_691 = tpu.vector_load %arg7[%get3A_690] {strides = array<i32>} : memref<16384xf32, #tpu.memory_space<vmem>>, vector<16xf32>,
      %add3A_692 = arith.constant 4 : i32
      %add3A_693 = arith.addi %mul3A_14, %add3A_692 : i32
      %mul3A_694 = arith.constant 32 : i32
      %mul3A_695 = arith.muli %add3A_693, %mul3A_694 : i32
      %add3A_696 = arith.constant 16 : i32
      %add3A_697 = arith.addi %mul3A_695, %add3A_696 : i32
      %get3A_698 = arith.index_cast %add3A_697 : i32 to index
      %get3A_699 = tpu.vector_load %arg7[%get3A_698] {strides = array<i32>} : memref<16384xf32, #tpu.memory_space<vmem>>, vector<16xf32>,
      %mul3A_700 = arith.mulf %gather3A_680, %get3A_691 : vector<16xf32>
      %mul3A_701 = arith.mulf %gather3A_685, %get3A_699 : vector<16xf32>
      %add3A_702 = arith.addf %mul3A_700, %mul3A_701 : vector<16xf32>
      %add3A_703 = arith.constant 4 : i32
      %add3A_704 = arith.addi %mul3A_446, %add3A_703 : i32
      %eq3A_705 = vector.broadcast %add3A_704 : i32 to vector<16xi32>
      %eq3A_706 = arith.cmpi eq, %iota3A, %eq3A_705 : vector<16xi32>
      %reduce_sum3A_707 = arith.constant true
      %reduce_sum3A_708 = vector.broadcast %reduce_sum3A_707 : i1 to vector<16xi1>
      %reduce_sum3A_709 = tpu.scan <sum>, %add3A_702 masked %reduce_sum3A_708 : vector<16xf32>, vector<16xi1> -> vector<16xf32>
      %reduce_sum3A_710 = vector.extract %reduce_sum3A_709[15] : f32 from vector<16xf32>
      %broadcast_in_dim3A_711 = vector.broadcast %reduce_sum3A_710 : f32 to vector<16xf32>
      %select_n3A_712 = arith.select %eq3A_706, %broadcast_in_dim3A_711, %select_n3A_658 : vector<16xi1>, vector<16xf32>
      %slice3A_713 = vector.extract_strided_slice %get3A_15 {offsets = [5], sizes = [1], strides = [1]} : vector<16xi32> to vector<1xi32>
      %squeeze3A_714 = vector.extract %slice3A_713[0] : i32 from vector<1xi32>
      %jit3A_715 = arith.constant 128 : i32
      %eq3A_716 = arith.constant 0 : i32
      %eq3A_717 = arith.cmpi eq, %jit3A_715, %eq3A_716 : i32
      %jit3A_718 = arith.constant 1 : i32
      %select_n3A_719 = arith.select %eq3A_717, %jit3A_718, %jit3A_715 : i32
      %rem3A_720 = arith.remsi %squeeze3A_714, %select_n3A_719 : i32
      %ne3A_721 = arith.constant 0 : i32
      %ne3A_722 = arith.cmpi ne, %rem3A_720, %ne3A_721 : i32
      %lt3A_723 = arith.constant 0 : i32
      %lt3A_724 = arith.cmpi slt, %rem3A_720, %lt3A_723 : i32
      %lt3A_725 = arith.constant 0 : i32
      %lt3A_726 = arith.cmpi slt, %select_n3A_719, %lt3A_725 : i32
      %ne3A_727 = arith.xori %lt3A_724, %lt3A_726 : i1
      %and3A_728 = arith.andi %ne3A_727, %ne3A_722 : i1
      %add3A_729 = arith.addi %rem3A_720, %select_n3A_719 : i32
      %select_n3A_730 = arith.select %and3A_728, %add3A_729, %rem3A_720 : i32
      %broadcast_in_dim3A_731 = arith.constant 5 : i32
      %broadcast_in_dim3A_732 = vector.broadcast %broadcast_in_dim3A_731 : i32 to vector<16xi32>
      %broadcast_in_dim3A_733 = vector.broadcast %select_n3A_730 : i32 to vector<16xi32>
      %gather3A_734 = tpu.vector_load_idx %arg8[%broadcast_in_dim3A_732, %iota3A, %broadcast_in_dim3A_733] : memref<8x32x128xf32, #tpu.memory_space<vmem>>[vector<16xi32>, vector<16xi32>, vector<16xi32>], vector<16xf32>,
      %add3A_735 = arith.constant 16 : i32
      %add3A_736 = vector.broadcast %add3A_735 : i32 to vector<16xi32>
      %add3A_737 = arith.addi %iota3A, %add3A_736 : vector<16xi32>
      %broadcast_in_dim3A_738 = vector.broadcast %select_n3A_730 : i32 to vector<16xi32>
      %gather3A_739 = tpu.vector_load_idx %arg8[%broadcast_in_dim3A_732, %add3A_737, %broadcast_in_dim3A_738] : memref<8x32x128xf32, #tpu.memory_space<vmem>>[vector<16xi32>, vector<16xi32>, vector<16xi32>], vector<16xf32>,
      %add3A_740 = arith.constant 5 : i32
      %add3A_741 = arith.addi %mul3A_14, %add3A_740 : i32
      %mul3A_742 = arith.constant 32 : i32
      %mul3A_743 = arith.muli %add3A_741, %mul3A_742 : i32
      %get3A_744 = arith.index_cast %mul3A_743 : i32 to index
      %get3A_745 = tpu.vector_load %arg7[%get3A_744] {strides = array<i32>} : memref<16384xf32, #tpu.memory_space<vmem>>, vector<16xf32>,
      %add3A_746 = arith.constant 5 : i32
      %add3A_747 = arith.addi %mul3A_14, %add3A_746 : i32
      %mul3A_748 = arith.constant 32 : i32
      %mul3A_749 = arith.muli %add3A_747, %mul3A_748 : i32
      %add3A_750 = arith.constant 16 : i32
      %add3A_751 = arith.addi %mul3A_749, %add3A_750 : i32
      %get3A_752 = arith.index_cast %add3A_751 : i32 to index
      %get3A_753 = tpu.vector_load %arg7[%get3A_752] {strides = array<i32>} : memref<16384xf32, #tpu.memory_space<vmem>>, vector<16xf32>,
      %mul3A_754 = arith.mulf %gather3A_734, %get3A_745 : vector<16xf32>
      %mul3A_755 = arith.mulf %gather3A_739, %get3A_753 : vector<16xf32>
      %add3A_756 = arith.addf %mul3A_754, %mul3A_755 : vector<16xf32>
      %add3A_757 = arith.constant 5 : i32
      %add3A_758 = arith.addi %mul3A_446, %add3A_757 : i32
      %eq3A_759 = vector.broadcast %add3A_758 : i32 to vector<16xi32>
      %eq3A_760 = arith.cmpi eq, %iota3A, %eq3A_759 : vector<16xi32>
      %reduce_sum3A_761 = arith.constant true
      %reduce_sum3A_762 = vector.broadcast %reduce_sum3A_761 : i1 to vector<16xi1>
      %reduce_sum3A_763 = tpu.scan <sum>, %add3A_756 masked %reduce_sum3A_762 : vector<16xf32>, vector<16xi1> -> vector<16xf32>
      %reduce_sum3A_764 = vector.extract %reduce_sum3A_763[15] : f32 from vector<16xf32>
      %broadcast_in_dim3A_765 = vector.broadcast %reduce_sum3A_764 : f32 to vector<16xf32>
      %select_n3A_766 = arith.select %eq3A_760, %broadcast_in_dim3A_765, %select_n3A_712 : vector<16xi1>, vector<16xf32>
      %slice3A_767 = vector.extract_strided_slice %get3A_15 {offsets = [6], sizes = [1], strides = [1]} : vector<16xi32> to vector<1xi32>
      %squeeze3A_768 = vector.extract %slice3A_767[0] : i32 from vector<1xi32>
      %jit3A_769 = arith.constant 128 : i32
      %eq3A_770 = arith.constant 0 : i32
      %eq3A_771 = arith.cmpi eq, %jit3A_769, %eq3A_770 : i32
      %jit3A_772 = arith.constant 1 : i32
      %select_n3A_773 = arith.select %eq3A_771, %jit3A_772, %jit3A_769 : i32
      %rem3A_774 = arith.remsi %squeeze3A_768, %select_n3A_773 : i32
      %ne3A_775 = arith.constant 0 : i32
      %ne3A_776 = arith.cmpi ne, %rem3A_774, %ne3A_775 : i32
      %lt3A_777 = arith.constant 0 : i32
      %lt3A_778 = arith.cmpi slt, %rem3A_774, %lt3A_777 : i32
      %lt3A_779 = arith.constant 0 : i32
      %lt3A_780 = arith.cmpi slt, %select_n3A_773, %lt3A_779 : i32
      %ne3A_781 = arith.xori %lt3A_778, %lt3A_780 : i1
      %and3A_782 = arith.andi %ne3A_781, %ne3A_776 : i1
      %add3A_783 = arith.addi %rem3A_774, %select_n3A_773 : i32
      %select_n3A_784 = arith.select %and3A_782, %add3A_783, %rem3A_774 : i32
      %broadcast_in_dim3A_785 = arith.constant 6 : i32
      %broadcast_in_dim3A_786 = vector.broadcast %broadcast_in_dim3A_785 : i32 to vector<16xi32>
      %broadcast_in_dim3A_787 = vector.broadcast %select_n3A_784 : i32 to vector<16xi32>
      %gather3A_788 = tpu.vector_load_idx %arg8[%broadcast_in_dim3A_786, %iota3A, %broadcast_in_dim3A_787] : memref<8x32x128xf32, #tpu.memory_space<vmem>>[vector<16xi32>, vector<16xi32>, vector<16xi32>], vector<16xf32>,
      %add3A_789 = arith.constant 16 : i32
      %add3A_790 = vector.broadcast %add3A_789 : i32 to vector<16xi32>
      %add3A_791 = arith.addi %iota3A, %add3A_790 : vector<16xi32>
      %broadcast_in_dim3A_792 = vector.broadcast %select_n3A_784 : i32 to vector<16xi32>
      %gather3A_793 = tpu.vector_load_idx %arg8[%broadcast_in_dim3A_786, %add3A_791, %broadcast_in_dim3A_792] : memref<8x32x128xf32, #tpu.memory_space<vmem>>[vector<16xi32>, vector<16xi32>, vector<16xi32>], vector<16xf32>,
      %add3A_794 = arith.constant 6 : i32
      %add3A_795 = arith.addi %mul3A_14, %add3A_794 : i32
      %mul3A_796 = arith.constant 32 : i32
      %mul3A_797 = arith.muli %add3A_795, %mul3A_796 : i32
      %get3A_798 = arith.index_cast %mul3A_797 : i32 to index
      %get3A_799 = tpu.vector_load %arg7[%get3A_798] {strides = array<i32>} : memref<16384xf32, #tpu.memory_space<vmem>>, vector<16xf32>,
      %add3A_800 = arith.constant 6 : i32
      %add3A_801 = arith.addi %mul3A_14, %add3A_800 : i32
      %mul3A_802 = arith.constant 32 : i32
      %mul3A_803 = arith.muli %add3A_801, %mul3A_802 : i32
      %add3A_804 = arith.constant 16 : i32
      %add3A_805 = arith.addi %mul3A_803, %add3A_804 : i32
      %get3A_806 = arith.index_cast %add3A_805 : i32 to index
      %get3A_807 = tpu.vector_load %arg7[%get3A_806] {strides = array<i32>} : memref<16384xf32, #tpu.memory_space<vmem>>, vector<16xf32>,
      %mul3A_808 = arith.mulf %gather3A_788, %get3A_799 : vector<16xf32>
      %mul3A_809 = arith.mulf %gather3A_793, %get3A_807 : vector<16xf32>
      %add3A_810 = arith.addf %mul3A_808, %mul3A_809 : vector<16xf32>
      %add3A_811 = arith.constant 6 : i32
      %add3A_812 = arith.addi %mul3A_446, %add3A_811 : i32
      %eq3A_813 = vector.broadcast %add3A_812 : i32 to vector<16xi32>
      %eq3A_814 = arith.cmpi eq, %iota3A, %eq3A_813 : vector<16xi32>
      %reduce_sum3A_815 = arith.constant true
      %reduce_sum3A_816 = vector.broadcast %reduce_sum3A_815 : i1 to vector<16xi1>
      %reduce_sum3A_817 = tpu.scan <sum>, %add3A_810 masked %reduce_sum3A_816 : vector<16xf32>, vector<16xi1> -> vector<16xf32>
      %reduce_sum3A_818 = vector.extract %reduce_sum3A_817[15] : f32 from vector<16xf32>
      %broadcast_in_dim3A_819 = vector.broadcast %reduce_sum3A_818 : f32 to vector<16xf32>
      %select_n3A_820 = arith.select %eq3A_814, %broadcast_in_dim3A_819, %select_n3A_766 : vector<16xi1>, vector<16xf32>
      %slice3A_821 = vector.extract_strided_slice %get3A_15 {offsets = [7], sizes = [1], strides = [1]} : vector<16xi32> to vector<1xi32>
      %squeeze3A_822 = vector.extract %slice3A_821[0] : i32 from vector<1xi32>
      %jit3A_823 = arith.constant 128 : i32
      %eq3A_824 = arith.constant 0 : i32
      %eq3A_825 = arith.cmpi eq, %jit3A_823, %eq3A_824 : i32
      %jit3A_826 = arith.constant 1 : i32
      %select_n3A_827 = arith.select %eq3A_825, %jit3A_826, %jit3A_823 : i32
      %rem3A_828 = arith.remsi %squeeze3A_822, %select_n3A_827 : i32
      %ne3A_829 = arith.constant 0 : i32
      %ne3A_830 = arith.cmpi ne, %rem3A_828, %ne3A_829 : i32
      %lt3A_831 = arith.constant 0 : i32
      %lt3A_832 = arith.cmpi slt, %rem3A_828, %lt3A_831 : i32
      %lt3A_833 = arith.constant 0 : i32
      %lt3A_834 = arith.cmpi slt, %select_n3A_827, %lt3A_833 : i32
      %ne3A_835 = arith.xori %lt3A_832, %lt3A_834 : i1
      %and3A_836 = arith.andi %ne3A_835, %ne3A_830 : i1
      %add3A_837 = arith.addi %rem3A_828, %select_n3A_827 : i32
      %select_n3A_838 = arith.select %and3A_836, %add3A_837, %rem3A_828 : i32
      %broadcast_in_dim3A_839 = arith.constant 7 : i32
      %broadcast_in_dim3A_840 = vector.broadcast %broadcast_in_dim3A_839 : i32 to vector<16xi32>
      %broadcast_in_dim3A_841 = vector.broadcast %select_n3A_838 : i32 to vector<16xi32>
      %gather3A_842 = tpu.vector_load_idx %arg8[%broadcast_in_dim3A_840, %iota3A, %broadcast_in_dim3A_841] : memref<8x32x128xf32, #tpu.memory_space<vmem>>[vector<16xi32>, vector<16xi32>, vector<16xi32>], vector<16xf32>,
      %add3A_843 = arith.constant 16 : i32
      %add3A_844 = vector.broadcast %add3A_843 : i32 to vector<16xi32>
      %add3A_845 = arith.addi %iota3A, %add3A_844 : vector<16xi32>
      %broadcast_in_dim3A_846 = vector.broadcast %select_n3A_838 : i32 to vector<16xi32>
      %gather3A_847 = tpu.vector_load_idx %arg8[%broadcast_in_dim3A_840, %add3A_845, %broadcast_in_dim3A_846] : memref<8x32x128xf32, #tpu.memory_space<vmem>>[vector<16xi32>, vector<16xi32>, vector<16xi32>], vector<16xf32>,
      %add3A_848 = arith.constant 7 : i32
      %add3A_849 = arith.addi %mul3A_14, %add3A_848 : i32
      %mul3A_850 = arith.constant 32 : i32
      %mul3A_851 = arith.muli %add3A_849, %mul3A_850 : i32
      %get3A_852 = arith.index_cast %mul3A_851 : i32 to index
      %get3A_853 = tpu.vector_load %arg7[%get3A_852] {strides = array<i32>} : memref<16384xf32, #tpu.memory_space<vmem>>, vector<16xf32>,
      %add3A_854 = arith.constant 7 : i32
      %add3A_855 = arith.addi %mul3A_14, %add3A_854 : i32
      %mul3A_856 = arith.constant 32 : i32
      %mul3A_857 = arith.muli %add3A_855, %mul3A_856 : i32
      %add3A_858 = arith.constant 16 : i32
      %add3A_859 = arith.addi %mul3A_857, %add3A_858 : i32
      %get3A_860 = arith.index_cast %add3A_859 : i32 to index
      %get3A_861 = tpu.vector_load %arg7[%get3A_860] {strides = array<i32>} : memref<16384xf32, #tpu.memory_space<vmem>>, vector<16xf32>,
      %mul3A_862 = arith.mulf %gather3A_842, %get3A_853 : vector<16xf32>
      %mul3A_863 = arith.mulf %gather3A_847, %get3A_861 : vector<16xf32>
      %add3A_864 = arith.addf %mul3A_862, %mul3A_863 : vector<16xf32>
      %add3A_865 = arith.constant 7 : i32
      %add3A_866 = arith.addi %mul3A_446, %add3A_865 : i32
      %eq3A_867 = vector.broadcast %add3A_866 : i32 to vector<16xi32>
      %eq3A_868 = arith.cmpi eq, %iota3A, %eq3A_867 : vector<16xi32>
      %reduce_sum3A_869 = arith.constant true
      %reduce_sum3A_870 = vector.broadcast %reduce_sum3A_869 : i1 to vector<16xi1>
      %reduce_sum3A_871 = tpu.scan <sum>, %add3A_864 masked %reduce_sum3A_870 : vector<16xf32>, vector<16xi1> -> vector<16xf32>
      %reduce_sum3A_872 = vector.extract %reduce_sum3A_871[15] : f32 from vector<16xf32>
      %broadcast_in_dim3A_873 = vector.broadcast %reduce_sum3A_872 : f32 to vector<16xf32>
      %select_n3A_874 = arith.select %eq3A_868, %broadcast_in_dim3A_873, %select_n3A_820 : vector<16xi1>, vector<16xf32>
      %and3A_875 = arith.constant 1 : i32
      %and3A_876 = arith.andi %scan3A_11, %and3A_875 : i32
      %eq3A_877 = arith.constant 1 : i32
      %eq3A_878 = arith.cmpi eq, %and3A_876, %eq3A_877 : i32
      %convert_element_type3A = arith.extui %eq3A_878 : i1 to i32
      %cond3A = arith.constant 0 : i32
      %cond3A_879 = arith.cmpi ne, %convert_element_type3A, %cond3A : i32
      scf.if %cond3A_879 {
        %shift_right_arithmetic3A = arith.constant 1 : i32
        %shift_right_arithmetic3A_880 = arith.shrsi %scan3A_11, %shift_right_arithmetic3A : i32
        %mul3A_881 = arith.constant 16 : i32
        %mul3A_882 = arith.muli %shift_right_arithmetic3A_880, %mul3A_881 : i32
        %swap3A = arith.index_cast %mul3A_882 : i32 to index
        %swap3A_883 = tpu.vector_load %arg9[%swap3A] {strides = array<i32>} : memref<512xf32, #tpu.memory_space<vmem>>, vector<16xf32>,
        tpu.vector_store %arg9[%swap3A], %select_n3A_874 {strides = array<i32>} : memref<512xf32, #tpu.memory_space<vmem>>, vector<16xf32>,
      } else {
      }
      scf.yield %select_n3A_874 : vector<16xf32>
    }
    %scan3A_10 = arith.constant 64 : i32
    "tpu.region"() ({
      %run_scoped3A = tpu.sem_alloc : memref<!tpu.dma_semaphore, #tpu.memory_space<semaphore_mem>>
      %dma_start3A = tpu.memref_slice %arg5[%mul3A_2] : memref<16384xf32, #tpu.memory_space<hbm>> -> memref<512xf32, #tpu.memory_space<hbm>>
      %dma_start3A_11 = tpu.memref_slice %arg5[%mul3A_2] : memref<16384xf32, #tpu.memory_space<hbm>> -> memref<512xf32, #tpu.memory_space<hbm>>
      tpu.enqueue_dma source(%arg9 : memref<512xf32, #tpu.memory_space<vmem>>) target(%dma_start3A_11 : memref<512xf32, #tpu.memory_space<hbm>>) target_semaphore(%run_scoped3A : memref<!tpu.dma_semaphore, #tpu.memory_space<semaphore_mem>>)
      %dma_wait3A = tpu.memref_slice %arg5[%mul3A_2] : memref<16384xf32, #tpu.memory_space<hbm>> -> memref<512xf32, #tpu.memory_space<hbm>>
      %dma_wait3A_12 = tpu.memref_slice %arg5[%mul3A_2] : memref<16384xf32, #tpu.memory_space<hbm>> -> memref<512xf32, #tpu.memory_space<hbm>>
      tpu.wait_dma2 semaphore(%run_scoped3A : memref<!tpu.dma_semaphore, #tpu.memory_space<semaphore_mem>>) src(%arg9 : memref<512xf32, #tpu.memory_space<vmem>>) dst(%dma_wait3A_12 : memref<512xf32, #tpu.memory_space<hbm>>)
      tpu.yield
    }) : () -> ()
    return
  }
}

</mosaic_0001>

<sc_bundles>
// kernel: kernel.4.cloned.1.call-start
scs
__scs_entry_jumppad:
0x0: {  	(pc) =	sbr.rel $0x88, $3  }
0x1: {  	(tag) =	ssettag $0x0;
	lr =	simm.s32 $0x1  }
0x2: {  	[smem:$0x3F9D] =	sst lr;
	_ =	strace $0xD0000000  }
0x3: {  	_ = 	snop  }
0x4: {  	_ = 	snop  }
0x5: {  	_ = 	snop  }
0x6: {  	_ = 	snop  }
0x7: {  	_ = 	snop  }
__scs_overlays_trampoline_lowered:
0x8: {  	[smem:$0x3FAC] =	sst s0  }
0x9: {  	[smem:$0x3FAD] =	sst s1  }
0xa: {  	[smem:$0x3FAE] =	sst s2  }
0xb: {  	[smem:$0x3FAF] =	sst s3  }
0xc: {  	[smem:$0x3FB0] =	sst s4  }
0xd: {  	[smem:$0x3FB1] =	sst s5  }
0xe: {  	[smem:$0x3FB2] =	sst s6  }
0xf: {  	[smem:$0x3FB3] =	sst s7  }
0x10: {  	[smem:$0x3FB4] =	sst s8  }
0x11: {  	[smem:$0x3FB5] =	sst s9;
	s0 =	simm.s32 @!p0 $0x0  }
0x12: {  	s1 =	sld [smem:$0x3F9B];
	s0 =	simm.s32 @p0 $0x1  }
0x13: {  	[smem:$0x3FB6] =	sst s0;
	s0 =	simm.s32 @!p1 $0x0  }
0x14: {  	s2 =	sld [smem:$0x3F9A];
	s0 =	simm.s32 @p1 $0x1  }
0x15: {  	[smem:$0x3FB7] =	sst s0;
	s0 =	simm.s32 @!p2 $0x0  }
0x16: {  	s3 =	sld [smem:$0x3FDB];
	s0 =	simm.s32 @p2 $0x1  }
0x17: {  	s4 =	simm.s32 $0x1BF5;
	[smem:$0x3FB9] =	sst s0  }
0x18: {  	s0 =	sld [smem:$0x3F9C];
	_ =	swait.ge [sflag:s4], $0x0  }
0x19: {  	s7 =	sld [smem:$0x3F9D]  }
0x1a: {  	s8 =	sadd.s32 $0xFFFFE003, lr  }
0x1b: {  	s9 =	sadd.s32 $0xFFFFFEF7, lr;
	s5 =	simm.s32 $0xFFFFFFFF;
	p2 =	slt.u32 s8, $0xFFFFF086  }
0x1c: {  	p1 =	slt.u32 s9, $0xF7A;
	s5 =	simm.s32 @!p2 $0x0  }
0x1d: {  	s5 =	simm.s32 @p1 $0x1;
	p0 =	seq.s32 s7, s2  }
0x1e: {  	s7 =	smul.u32 @!p0 $0xF7A, s2;
	p2 =	seq.s32 @!p0 s5, $0x0  }
0x1f: {  	s9 =	smul.u32 $0xF7A, s1;
	s8 =	simm.s32 @!p0 $0x1BF5;
	p2 =	por !p2, p0  }
0x20: {  	[sflag:s8] =	ssyncset.s32 @!p0 $0xFFFFF086;
	s6 =	sadd.s32 @!p0 s3, s7;
	s7 =	simm.s32 @!p0 $0x108  }
0x21: {  	s3 =	sadd.s32 s3, s9;
	s6 =	sadd.s32 @!p0 $0x88, s6;
	s7 =	simm.s32 @p2 $0x1082  }
0x22: {  	[simem:s7], [sflag:s8] =	dma.local @!p0 [hbm:s6], $0xF7A  }
0x23: {  	s9 =	sor.u32 $0xD0000000, s2;
	s6 =	simm.s32 $0x108;
	_ =	swait.ge @!p0 [sflag:s8], $0x0  }
0x24: {  	s3 =	sadd.s32 $0x88, s3;
	s6 =	simm.s32 @!p1 $0x1082;
	[sflag:s4] =	ssyncset.s32 $0xFFFFF086  }
0x25: {  	[simem:s6], [sflag:s4] =	dma.local [hbm:s3], $0xF7A  }
0x26: {  	[smem:$0x3F9D] =	sst s1;
	(tag) =	ssettag s2;
	_ =	strace s9  }
0x27: {  	s1 =	sld [smem:$0x3FAD]  }
0x28: {  	s2 =	sld [smem:$0x3FAE]  }
0x29: {  	s4 =	sld [smem:$0x3FB0]  }
0x2a: {  	p0 =	seq.s32 s5, $0x0;
	s5 =	sld [smem:$0x3FB1]  }
0x2b: {  	s6 =	sld [smem:$0x3FB2]  }
0x2c: {  	s7 =	sld [smem:$0x3FB3]  }
0x2d: {  	s3 =	simm.s32 $0x108;
	s8 =	sld [smem:$0x3FB4]  }
0x2e: {  	s3 =	simm.s32 @!p0 $0x1082;
	s9 =	sld [smem:$0x3FB5]  }
0x2f: {  	lr =	sadd.s32 s0, s3;
	s0 =	sld [smem:$0x3FAC]  }
0x30: {  	s3 =	sld [smem:$0x3FAF]  }
0x31: {  	[smem:$0x3FB8] =	sst s10  }
0x32: {  	s10 =	sld [smem:$0x3FB6];
	_ =	sdelay $0x3  }
0x33: {  	p0 =	seq.s32 s10, $0x1;
	s10 =	sld [smem:$0x3FB8];
	_ =	sdelay $0x3  }
0x34: {  	[smem:$0x3FB8] =	sst s10  }
0x35: {  	s10 =	sld [smem:$0x3FB7];
	_ =	sdelay $0x3  }
0x36: {  	p1 =	seq.s32 s10, $0x1;
	s10 =	sld [smem:$0x3FB8];
	_ =	sdelay $0x3  }
0x37: {  	[smem:$0x3FB8] =	sst s10  }
0x38: {  	s10 =	sld [smem:$0x3FB9]  }
0x39: {  	_ = 	snop;
	(pc) =	sbr.ind lr, $3  }
0x3a: {  	_ = 	snop  }
0x3b: {  	_ = 	snop  }
0x3c: {  	p2 =	seq.s32 s10, $0x1;
	s10 =	sld [smem:$0x3FB8]  }
0x3d: {  	_ =	shalt  }
0x3e: {  	_ =	shalt  }
0x3f: {  	_ =	shalt  }
0x40: {  	_ =	shalt  }
0x41: {  	_ =	shalt  }
0x42: {  	_ =	shalt  }
0x43: {  	_ =	shalt  }
0x44: {  	_ =	shalt  }
0x45: {  	_ =	shalt  }
0x46: {  	_ =	shalt  }
0x47: {  	_ =	shalt  }
0x48: {  	_ =	shalt  }
0x49: {  	_ =	shalt  }
0x4a: {  	_ =	shalt  }
0x4b: {  	_ =	shalt  }
0x4c: {  	_ =	shalt  }
0x4d: {  	_ =	shalt  }
0x4e: {  	_ =	shalt  }
0x4f: {  	_ =	shalt  }
0x50: {  	_ =	shalt  }
0x51: {  	_ =	shalt  }
0x52: {  	_ =	shalt  }
0x53: {  	_ =	shalt  }
0x54: {  	_ =	shalt  }
0x55: {  	_ =	shalt  }
0x56: {  	_ =	shalt  }
0x57: {  	_ =	shalt  }
0x58: {  	_ =	shalt  }
0x59: {  	_ =	shalt  }
0x5a: {  	_ =	shalt  }
0x5b: {  	_ =	shalt  }
0x5c: {  	_ =	shalt  }
0x5d: {  	_ =	shalt  }
0x5e: {  	_ =	shalt  }
0x5f: {  	_ =	shalt  }
0x60: {  	_ =	shalt  }
0x61: {  	_ =	shalt  }
0x62: {  	_ =	shalt  }
0x63: {  	_ =	shalt  }
0x64: {  	_ =	shalt  }
0x65: {  	_ =	shalt  }
0x66: {  	_ =	shalt  }
0x67: {  	_ =	shalt  }
0x68: {  	_ =	shalt  }
0x69: {  	_ =	shalt  }
0x6a: {  	_ =	shalt  }
0x6b: {  	_ =	shalt  }
0x6c: {  	_ =	shalt  }
0x6d: {  	_ =	shalt  }
0x6e: {  	_ =	shalt  }
0x6f: {  	_ =	shalt  }
0x70: {  	_ =	shalt  }
0x71: {  	_ =	shalt  }
0x72: {  	_ =	shalt  }
0x73: {  	_ =	shalt  }
0x74: {  	_ =	shalt  }
0x75: {  	_ =	shalt  }
0x76: {  	_ =	shalt  }
0x77: {  	_ =	shalt  }
0x78: {  	_ =	shalt  }
0x79: {  	_ =	shalt  }
0x7a: {  	_ =	shalt  }
0x7b: {  	_ =	shalt  }
0x7c: {  	_ =	shalt  }
0x7d: {  	_ =	shalt  }
0x7e: {  	_ =	shalt  }
0x7f: {  	_ =	shalt  }
0x80: {  	_ =	shalt  }
0x81: {  	_ =	shalt  }
0x82: {  	_ =	shalt  }
0x83: {  	_ =	shalt  }
0x84: {  	_ =	shalt  }
0x85: {  	_ =	shalt  }
0x86: {  	_ =	shalt  }
0x87: {  	_ =	shalt  }
.Lfunc_end0:
.L_simem_size_0:
called_computation_lowered:
.L_overlay_start_0:
0x88: {  	s2 =	sld [smem:$0x3FD9]  }
0x89: {  	s3 =	sld [smem:$0x3FFE];
	_ =	sdelay $0x1  }
0x8a: {  	s1 =	srdreg.scid  }
0x8b: {  	s0 =	sand.u32 $0x1, s1  }
0x8c: {  	s17 =	sshll.u32 s0, $0xA;
	s2 =	sadd.s32 s3, s2  }
0x8d: {  	s2 =	sadd.s32 s2, s17  }
0x8e: {  	[smem:$0x3FC4] =	sst s2  }
0x8f: {  	_ = 	snop  }
0x90: {  	s2 =	sld [smem:$0x3FC8];
	(tm) =	ssettm $0x1  }
0x91: {  	s18 =	sld [smem:$0x3FFB];
	_ =	sdelay $0x3  }
0x92: {  	_ =	strace s18  }
0x93: {  	s3 =	sld [smem:$0x3FFC];
	_ =	sdelay $0x3  }
0x94: {  	_ =	strace s3  }
0x95: {  	s3 =	sld [smem:$0x3FFD];
	_ =	sdelay $0x3  }
0x96: {  	_ =	strace s3  }
0x97: {  	_ =	strace $0x8FFFFFFF  }
0x98: {  	s19 =	sld [smem:$0x3FDB];
	_ =	sdelay $0x1  }
0x99: {  	s4 =	simm.s32 $_scs_section_size  }
0x9a: {  	s5 =	simm.s32 $_size__tile_overlayer_lowered;
	s6 =	simm.s32 $_tile_overlayer_lowered  }
0x9b: {  	s22 =	simm.s32 $0x1BFF;
	s21 =	sshll.u32 s6, $0x1;
	s3 =	sadd.s32 s4, s19  }
0x9c: {  	s7 =	simm.s32 $0x0;
	s20 =	sshll.u32 s5, $0x1;
	s5 =	sadd.s32 s21, s3  }
0x9d: {  	[timem:s7], [sflag:s22] =	dma.local [hbm:s5], s20  }
0x9e: {  	_ =	swait.ge [sflag:s22], s20  }
0x9f: {  	s4 =	ssub.s32 $0x0, s20;
	[sflag:s22] =	ssyncset.done $0x0  }
0xa0: {  	[sflag:s22] =	ssyncadd.s32 s4;
	_ =	sdelay $0x1  }
0xa1: {  	s23 =	simm.s32 $0x1B8B  }
0xa2: {  	_ =	swait.ge [sflag:s23], $0x1  }
0xa3: {  	[sflag:s23] =	ssyncset.done $0x0  }
0xa4: {  	s25 =	simm.s32 $0x1B8E;
	s24 =	sld [smem:$0x3FFE];
	[sflag:s23] =	ssyncadd.s32 $0xFFFFFFFF  }
0xa5: {  	s26 =	simm.s32 $execute0_lowered;
	[smem:$0x3FD2] =	sst s25  }
0xa6: {  	s5 =	sshll.u32 s26, $0x1;
	_ =	strace $0x80000046;
	[dreg:$0x1] =	wrdreg $0xFFFFFFFF  }
0xa7: {  	s28 =	simm.s32 $_size_execute0_lowered;
	s3 =	sadd.s32 s3, s5;
	[dreg:$0x0] =	wrdreg $0x0  }
0xa8: {  	s5 =	sshll.u32 s28, $0x1;
	[dreg:$0x2] =	wrdreg s3  }
0xa9: {  	[dreg:$0x3] =	wrdreg s5  }
0xaa: {  	[dreg:$0x4] =	wrdreg $0xC0  }
0xab: {  	_ =	task [dreg:s7], $0x5FFFF  }
0xac: {  	[dreg:$0x1] =	wrdreg $0xFFFFFFFF  }
0xad: {  	[dreg:$0x0] =	wrdreg $0x60  }
0xae: {  	[dreg:$0x2] =	wrdreg s2  }
0xaf: {  	[dreg:$0x3] =	wrdreg s24  }
0xb0: {  	[dreg:$0x4] =	wrdreg $0x9  }
0xb1: {  	_ =	task.clear_ibuf [dreg:s7], $0x5FFFF;
	_ =	strace $0x90000046  }
0xb2: {  	s29 =	simm.s32 $0x9;
	_ =	strace $0x80000048  }
0xb3: {  	_ =	swait.ge [sflag:s29], $0x1  }
0xb4: {  	[sflag:s29] =	ssyncadd.s32 $0xFFFFFFFF  }
0xb5: {  	_ =	strace $0x90000048  }
0xb6: {  	_ =	sfence  }
0xb7: {  	s30 =	sld [smem:$0x0];
	_ =	sdelay $0x2  }
0xb8: {  	s31 =	sshll.u32 s1, $0xD;
	s1 =	sshrl.u32 s1, $0x2  }
0xb9: {  	s3 =	sand.u32 $0x4000, s31;
	s1 =	sadd.s32 s1, s30  }
0xba: {  	s0 =	sor.u32 s3, s0;
	s1 =	sshll.u32 s1, $0x11  }
0xbb: {  	s0 =	sor.u32 s1, s0  }
0xbc: {  	s0 =	sadd.s32 $0x8F2B, s0  }
0xbd: {  	[sflag:s0] =	ssyncadd.remote.s32 $0x1  }
0xbe: {  	_ =	sfence.sel $0xFFFF  }
0xbf: {  	[dreg:$0x0] =	wrdreg $0xFFFFFFFF;
	(pc) =	sbr.abs _section_cstart, $3  }
0xc0: {  	[dreg:$0x1] =	wrdreg $0xFFFFFFFF  }
0xc1: {  	_ =	task.clear_ibuf [dreg:s7], $0x2FFFF;
	_ =	strace $0x9FFFFFFF  }
0xc2: {  	(tm) =	ssettm $0x7FFFFFFF  }
0xc3: {  	_ =	shalt  }
tec
execute0_lowered:
.L_overlay_start_1:
0x0: {  	(tag) =	ssettag $0x1  }
0x1: {  	s1 =	srdreg.scid  }
0x2: {  	s3 =	rddreg [dreg:$0x0];
	s0 =	stileid.u32;
	s14 =	sand.u32 $0x1, s1  }
0x3: {  	s15 =	rddreg [dreg:$0x1];
	s4 =	sshll.u32 s0, $0xA;
	s5 =	sshll.u32 s14, $0x9  }
0x4: {  	s2 =	simm.s32 $0x0;
	s1 =	rddreg [dreg:$0x2];
	s16 =	sor.u32 s5, s4  }
0x5: {  	[smem:$0x7FF] =	sst s2;
	s4 =	sshrl.u32 s16, $0x3  }
0x6: {  	_ =	strace $0x80000047;
	s4 =	sadd.s32 s3, s4;
	s3 =	simm.s32 $0x2  }
0x7: {  	[tilespmem:s2], [sflag:$0x2] =	stream.linear.gather [hbm4b:s4+s2], $0x200, $0x38;
	[tilespmem:$0x4200] =	vst v63  }
0x8: {  	_ =	swait.ge [sflag:s3], $0x200  }
0x9: {  	s6 =	simm.s32 $0x80;
	[sflag:s3] =	ssyncset.done $0x0  }
0xa: {  	s7 =	simm.s32 $0x200;
	s5 =	sadd.s32 $0x187200, s15;
	[sflag:s3] =	ssyncadd.s32 $0xFFFFFE00  }
0xb: {  	[tilespmem:s7], [sflag:$0x1] =	stream.indirect.gather [hbm4b:s5+s6], $0x20, s2, s6, $0xb8;
	[tilespmem:$0x4200] =	vst v63  }
0xc: {  	s8 =	simm.s32 $0x1200  }
0xd: {  	[tilespmem:s8], [sflag:$0x1] =	stream.indirect.gather [hbm4b:s5+s6], $0x20, s6, s6, $0xb8;
	[tilespmem:$0x4200] =	vst v63  }
0xe: {  	s9 =	simm.s32 $0x100;
	s10 =	simm.s32 $0x2200  }
0xf: {  	[tilespmem:s10], [sflag:$0x1] =	stream.indirect.gather [hbm4b:s5+s6], $0x20, s9, s6, $0xb8;
	[tilespmem:$0x4200] =	vst v63  }
0x10: {  	s11 =	simm.s32 $0x180;
	s12 =	simm.s32 $0x3200;
	s13 =	simm.s32 $0x1  }
0x11: {  	[tilespmem:s12], [sflag:$0x1] =	stream.indirect.gather [hbm4b:s5+s6], $0x20, s11, s6, $0xb8;
	[tilespmem:$0x4200] =	vst v63  }
0x12: {  	_ =	swait.ge [sflag:s13], $0x1000  }
0x13: {  	[sflag:s13] =	ssyncset.done $0x0  }
0x14: {  	[sflag:s13] =	ssyncadd.s32 $0xFFFFF000  }
0x15: {  	_ =	swait.ge [sflag:s13], $0x1000  }
0x16: {  	[sflag:s13] =	ssyncset.done $0x0  }
0x17: {  	s14 =	ssub.s32 $0x2, s14;
	[sflag:s13] =	ssyncadd.s32 $0xFFFFF000  }
0x18: {  	s17 =	sshrl.u32 s14, $0x1;
	_ =	swait.ge [sflag:s13], $0x1000  }
0x19: {  	s30 =	ssub.s32 s14, s17;
	[sflag:s13] =	ssyncset.done $0x0  }
0x1a: {  	s31 =	smax.u32 s30, $0x1;
	[sflag:s13] =	ssyncadd.s32 $0xFFFFF000  }
0x1b: {  	s16 =	sshll.u32 s16, $0x2;
	p0 =	sne.s32 s31, $0x1;
	_ =	swait.ge [sflag:s13], $0x1000  }
.Ltmp0:
0x1c: {  	s15 =	sadd.s32 s16, s15;
	[sflag:s13] =	ssyncset.done $0x0;
	(pc) =	sbr.rel @!p0 .LBB2_2-.Ltmp0, $4  }
0x1d: {  	s14 =	sadd.s32 $0x800, s15;
	[sflag:s13] =	ssyncadd.s32 $0xFFFFF000  }
0x1e: {  	[hbm4b:s14+s2] =	stream.linear.scatter [tilespmem:s7], [sflag:$0x2], $0x4000, $0x38;
	[tilespmem:$0x4200] =	vst v63  }
0x1f: {  	_ =	swait.ge [sflag:s3], $0x4000  }
0x20: {  	s15 =	sadd.s32 $0xFFFFFFFF, s31;
	[sflag:s3] =	ssyncset.done $0x0  }
.LBB2_1:
0x21: {  	p0 =	sne.s32 s15, $0x1;
	s15 =	sadd.s32 $0xFFFFFFFF, s15;
	[sflag:s3] =	ssyncadd.s32 $0xFFFFC000  }
0x22: {  	[tilespmem:s2], [sflag:$0x2] =	stream.linear.gather [hbm4b:s4+s2], $0x200, $0x38;
	[tilespmem:$0x4200] =	vst v63  }
0x23: {  	_ =	swait.ge [sflag:s3], $0x200  }
0x24: {  	[sflag:s3] =	ssyncset.done $0x0  }
0x25: {  	[sflag:s3] =	ssyncadd.s32 $0xFFFFFE00  }
0x26: {  	[tilespmem:s7], [sflag:$0x1] =	stream.indirect.gather [hbm4b:s5+s6], $0x20, s2, s6, $0xb8;
	[tilespmem:$0x4200] =	vst v63  }
0x27: {  	_ = 	snop  }
0x28: {  	[tilespmem:s8], [sflag:$0x1] =	stream.indirect.gather [hbm4b:s5+s6], $0x20, s6, s6, $0xb8;
	[tilespmem:$0x4200] =	vst v63  }
0x29: {  	_ = 	snop  }
0x2a: {  	[tilespmem:s10], [sflag:$0x1] =	stream.indirect.gather [hbm4b:s5+s6], $0x20, s9, s6, $0xb8;
	[tilespmem:$0x4200] =	vst v63  }
0x2b: {  	_ = 	snop  }
0x2c: {  	[tilespmem:s12], [sflag:$0x1] =	stream.indirect.gather [hbm4b:s5+s6], $0x20, s11, s6, $0xb8;
	[tilespmem:$0x4200] =	vst v63  }
0x2d: {  	_ =	swait.ge [sflag:s13], $0x1000  }
0x2e: {  	[sflag:s13] =	ssyncset.done $0x0  }
0x2f: {  	[sflag:s13] =	ssyncadd.s32 $0xFFFFF000  }
0x30: {  	_ =	swait.ge [sflag:s13], $0x1000  }
0x31: {  	[sflag:s13] =	ssyncset.done $0x0  }
0x32: {  	[sflag:s13] =	ssyncadd.s32 $0xFFFFF000  }
0x33: {  	_ =	swait.ge [sflag:s13], $0x1000  }
0x34: {  	[sflag:s13] =	ssyncset.done $0x0  }
0x35: {  	[sflag:s13] =	ssyncadd.s32 $0xFFFFF000  }
0x36: {  	_ =	swait.ge [sflag:s13], $0x1000  }
.Ltmp1:
0x37: {  	[sflag:s13] =	ssyncset.done $0x0;
	(pc) =	sbr.rel @p0 .LBB2_1-.Ltmp1, $4  }
0x38: {  	[sflag:s13] =	ssyncadd.s32 $0xFFFFF000  }
0x39: {  	[hbm4b:s14+s2] =	stream.linear.scatter [tilespmem:s7], [sflag:$0x2], $0x4000, $0x38;
	[tilespmem:$0x4200] =	vst v63  }
0x3a: {  	_ =	swait.ge [sflag:s3], $0x4000  }
0x3b: {  	[sflag:s3] =	ssyncset.done $0x0  }
.LBB2_2:
0x3c: {  	[sflag:s3] =	ssyncadd.s32 $0xFFFFC000  }
0x3d: {  	_ =	sfence.sel $0x180000  }
0x3e: {  	[bflag:$0x0] =	sbarrier.arrive $0xFFFF  }
0x3f: {  	p0 =	sne.s32 s0, $0x0;
	_ =	strace $0x90000047  }
0x40: {  	s0 =	sadd.s32 @!p0 $0x100000, s1;
	[bflag:$0x2] =	sbarrier.arrive $0xFFFF  }
0x41: {  	[sflag:s0] =	ssyncadd.tile.s32 @!p0 $0x1;
	_ =	shalt  }
.Lfunc_end2:
_tile_overlayer_lowered:
.L_overlay_start_2:
0x42: {  	(tag) =	ssettag $0x2  }
0x43: {  	s0 =	rddreg [dreg:$0x0];
	s2 =	stileid.u32  }
0x44: {  	s1 =	rddreg [dreg:$0x1];
	p0 =	sne.s32 s2, $0x0  }
0x45: {  	s3 =	rddreg [dreg:$0x2];
	[bflag:$0x3] =	sbarrier.arrive $0xFFFF;
	s2 =	simm.s32 @!p0 $0x1C02  }
0x46: {  	[timem:s3], [sflag:s2] =	dma.local @!p0 [hbm:s0], s1  }
0x47: {  	s0 =	simm.s32 @!p0 $0x2  }
0x48: {  	_ =	swait.ge @!p0 [sflag:s0], s1  }
0x49: {  	s1 =	ssub.s32 @!p0 $0x0, s1;
	[sflag:s0] =	ssyncset.done @!p0 $0x0  }
0x4a: {  	[sflag:s0] =	ssyncadd.s32 @!p0 s1  }
0x4b: {  	[bflag:$0x3] =	sbarrier.arrive $0xFFFF  }
0x4c: {  	_ =	shalt  }

// kernel: kernel.7.cloned.1.call-start
scs
__scs_entry_jumppad:
0x0: {  	(pc) =	sbr.rel $0x88, $3  }
0x1: {  	(tag) =	ssettag $0x0;
	lr =	simm.s32 $0x1  }
0x2: {  	[smem:$0x3F9D] =	sst lr;
	_ =	strace $0xD0000000  }
0x3: {  	_ = 	snop  }
0x4: {  	_ = 	snop  }
0x5: {  	_ = 	snop  }
0x6: {  	_ = 	snop  }
0x7: {  	_ = 	snop  }
__scs_overlays_trampoline_lowered:
0x8: {  	[smem:$0x3FAC] =	sst s0  }
0x9: {  	[smem:$0x3FAD] =	sst s1  }
0xa: {  	[smem:$0x3FAE] =	sst s2  }
0xb: {  	[smem:$0x3FAF] =	sst s3  }
0xc: {  	[smem:$0x3FB0] =	sst s4  }
0xd: {  	[smem:$0x3FB1] =	sst s5  }
0xe: {  	[smem:$0x3FB2] =	sst s6  }
0xf: {  	[smem:$0x3FB3] =	sst s7  }
0x10: {  	[smem:$0x3FB4] =	sst s8  }
0x11: {  	[smem:$0x3FB5] =	sst s9;
	s0 =	simm.s32 @!p0 $0x0  }
0x12: {  	s1 =	sld [smem:$0x3F9B];
	s0 =	simm.s32 @p0 $0x1  }
0x13: {  	[smem:$0x3FB6] =	sst s0;
	s0 =	simm.s32 @!p1 $0x0  }
0x14: {  	s2 =	sld [smem:$0x3F9A];
	s0 =	simm.s32 @p1 $0x1  }
0x15: {  	[smem:$0x3FB7] =	sst s0;
	s0 =	simm.s32 @!p2 $0x0  }
0x16: {  	s3 =	sld [smem:$0x3FDB];
	s0 =	simm.s32 @p2 $0x1  }
0x17: {  	s4 =	simm.s32 $0x1BF5;
	[smem:$0x3FB9] =	sst s0  }
0x18: {  	s0 =	sld [smem:$0x3F9C];
	_ =	swait.ge [sflag:s4], $0x0  }
0x19: {  	s7 =	sld [smem:$0x3F9D]  }
0x1a: {  	s8 =	sadd.s32 $0xFFFFE003, lr  }
0x1b: {  	s9 =	sadd.s32 $0xFFFFFEF7, lr;
	s5 =	simm.s32 $0xFFFFFFFF;
	p2 =	slt.u32 s8, $0xFFFFF086  }
0x1c: {  	p1 =	slt.u32 s9, $0xF7A;
	s5 =	simm.s32 @!p2 $0x0  }
0x1d: {  	s5 =	simm.s32 @p1 $0x1;
	p0 =	seq.s32 s7, s2  }
0x1e: {  	s7 =	smul.u32 @!p0 $0xF7A, s2;
	p2 =	seq.s32 @!p0 s5, $0x0  }
0x1f: {  	s9 =	smul.u32 $0xF7A, s1;
	s8 =	simm.s32 @!p0 $0x1BF5;
	p2 =	por !p2, p0  }
0x20: {  	[sflag:s8] =	ssyncset.s32 @!p0 $0xFFFFF086;
	s6 =	sadd.s32 @!p0 s3, s7;
	s7 =	simm.s32 @!p0 $0x108  }
0x21: {  	s3 =	sadd.s32 s3, s9;
	s6 =	sadd.s32 @!p0 $0x88, s6;
	s7 =	simm.s32 @p2 $0x1082  }
0x22: {  	[simem:s7], [sflag:s8] =	dma.local @!p0 [hbm:s6], $0xF7A  }
0x23: {  	s9 =	sor.u32 $0xD0000000, s2;
	s6 =	simm.s32 $0x108;
	_ =	swait.ge @!p0 [sflag:s8], $0x0  }
0x24: {  	s3 =	sadd.s32 $0x88, s3;
	s6 =	simm.s32 @!p1 $0x1082;
	[sflag:s4] =	ssyncset.s32 $0xFFFFF086  }
0x25: {  	[simem:s6], [sflag:s4] =	dma.local [hbm:s3], $0xF7A  }
0x26: {  	[smem:$0x3F9D] =	sst s1;
	(tag) =	ssettag s2;
	_ =	strace s9  }
0x27: {  	s1 =	sld [smem:$0x3FAD]  }
0x28: {  	s2 =	sld [smem:$0x3FAE]  }
0x29: {  	s4 =	sld [smem:$0x3FB0]  }
0x2a: {  	p0 =	seq.s32 s5, $0x0;
	s5 =	sld [smem:$0x3FB1]  }
0x2b: {  	s6 =	sld [smem:$0x3FB2]  }
0x2c: {  	s7 =	sld [smem:$0x3FB3]  }
0x2d: {  	s3 =	simm.s32 $0x108;
	s8 =	sld [smem:$0x3FB4]  }
0x2e: {  	s3 =	simm.s32 @!p0 $0x1082;
	s9 =	sld [smem:$0x3FB5]  }
0x2f: {  	lr =	sadd.s32 s0, s3;
	s0 =	sld [smem:$0x3FAC]  }
0x30: {  	s3 =	sld [smem:$0x3FAF]  }
0x31: {  	[smem:$0x3FB8] =	sst s10  }
0x32: {  	s10 =	sld [smem:$0x3FB6];
	_ =	sdelay $0x3  }
0x33: {  	p0 =	seq.s32 s10, $0x1;
	s10 =	sld [smem:$0x3FB8];
	_ =	sdelay $0x3  }
0x34: {  	[smem:$0x3FB8] =	sst s10  }
0x35: {  	s10 =	sld [smem:$0x3FB7];
	_ =	sdelay $0x3  }
0x36: {  	p1 =	seq.s32 s10, $0x1;
	s10 =	sld [smem:$0x3FB8];
	_ =	sdelay $0x3  }
0x37: {  	[smem:$0x3FB8] =	sst s10  }
0x38: {  	s10 =	sld [smem:$0x3FB9]  }
0x39: {  	_ = 	snop;
	(pc) =	sbr.ind lr, $3  }
0x3a: {  	_ = 	snop  }
0x3b: {  	_ = 	snop  }
0x3c: {  	p2 =	seq.s32 s10, $0x1;
	s10 =	sld [smem:$0x3FB8]  }
0x3d: {  	_ =	shalt  }
0x3e: {  	_ =	shalt  }
0x3f: {  	_ =	shalt  }
0x40: {  	_ =	shalt  }
0x41: {  	_ =	shalt  }
0x42: {  	_ =	shalt  }
0x43: {  	_ =	shalt  }
0x44: {  	_ =	shalt  }
0x45: {  	_ =	shalt  }
0x46: {  	_ =	shalt  }
0x47: {  	_ =	shalt  }
0x48: {  	_ =	shalt  }
0x49: {  	_ =	shalt  }
0x4a: {  	_ =	shalt  }
0x4b: {  	_ =	shalt  }
0x4c: {  	_ =	shalt  }
0x4d: {  	_ =	shalt  }
0x4e: {  	_ =	shalt  }
0x4f: {  	_ =	shalt  }
0x50: {  	_ =	shalt  }
0x51: {  	_ =	shalt  }
0x52: {  	_ =	shalt  }
0x53: {  	_ =	shalt  }
0x54: {  	_ =	shalt  }
0x55: {  	_ =	shalt  }
0x56: {  	_ =	shalt  }
0x57: {  	_ =	shalt  }
0x58: {  	_ =	shalt  }
0x59: {  	_ =	shalt  }
0x5a: {  	_ =	shalt  }
0x5b: {  	_ =	shalt  }
0x5c: {  	_ =	shalt  }
0x5d: {  	_ =	shalt  }
0x5e: {  	_ =	shalt  }
0x5f: {  	_ =	shalt  }
0x60: {  	_ =	shalt  }
0x61: {  	_ =	shalt  }
0x62: {  	_ =	shalt  }
0x63: {  	_ =	shalt  }
0x64: {  	_ =	shalt  }
0x65: {  	_ =	shalt  }
0x66: {  	_ =	shalt  }
0x67: {  	_ =	shalt  }
0x68: {  	_ =	shalt  }
0x69: {  	_ =	shalt  }
0x6a: {  	_ =	shalt  }
0x6b: {  	_ =	shalt  }
0x6c: {  	_ =	shalt  }
0x6d: {  	_ =	shalt  }
0x6e: {  	_ =	shalt  }
0x6f: {  	_ =	shalt  }
0x70: {  	_ =	shalt  }
0x71: {  	_ =	shalt  }
0x72: {  	_ =	shalt  }
0x73: {  	_ =	shalt  }
0x74: {  	_ =	shalt  }
0x75: {  	_ =	shalt  }
0x76: {  	_ =	shalt  }
0x77: {  	_ =	shalt  }
0x78: {  	_ =	shalt  }
0x79: {  	_ =	shalt  }
0x7a: {  	_ =	shalt  }
0x7b: {  	_ =	shalt  }
0x7c: {  	_ =	shalt  }
0x7d: {  	_ =	shalt  }
0x7e: {  	_ =	shalt  }
0x7f: {  	_ =	shalt  }
0x80: {  	_ =	shalt  }
0x81: {  	_ =	shalt  }
0x82: {  	_ =	shalt  }
0x83: {  	_ =	shalt  }
0x84: {  	_ =	shalt  }
0x85: {  	_ =	shalt  }
0x86: {  	_ =	shalt  }
0x87: {  	_ =	shalt  }
.Lfunc_end0:
.L_simem_size_0:
called_computation.1_lowered:
.L_overlay_start_0:
0x88: {  	s2 =	sld [smem:$0x3FD9]  }
0x89: {  	s3 =	sld [smem:$0x3FFE];
	_ =	sdelay $0x1  }
0x8a: {  	s1 =	srdreg.scid  }
0x8b: {  	s0 =	sand.u32 $0x1, s1  }
0x8c: {  	s17 =	sshll.u32 s0, $0xA;
	s2 =	sadd.s32 s3, s2  }
0x8d: {  	s2 =	sadd.s32 s2, s17  }
0x8e: {  	[smem:$0x3FC4] =	sst s2  }
0x8f: {  	_ = 	snop  }
0x90: {  	s2 =	sld [smem:$0x3FC9]  }
0x91: {  	s18 =	sld [smem:$0x3FC7]  }
0x92: {  	s4 =	sld [smem:$0x3FD0];
	(tm) =	ssettm $0x1  }
0x93: {  	s5 =	sld [smem:$0x3FFB];
	_ =	sdelay $0x3  }
0x94: {  	_ =	strace s5  }
0x95: {  	s5 =	sld [smem:$0x3FFC];
	_ =	sdelay $0x3  }
0x96: {  	_ =	strace s5  }
0x97: {  	s5 =	sld [smem:$0x3FFD];
	_ =	sdelay $0x3  }
0x98: {  	_ =	strace s5  }
0x99: {  	_ =	strace $0x8FFFFFFF  }
0x9a: {  	s19 =	sld [smem:$0x3FDB];
	_ =	sdelay $0x1  }
0x9b: {  	s6 =	simm.s32 $_scs_section_size  }
0x9c: {  	s7 =	simm.s32 $_size__tile_overlayer_lowered;
	s8 =	simm.s32 $_tile_overlayer_lowered  }
0x9d: {  	s22 =	simm.s32 $0x1BFF;
	s21 =	sshll.u32 s8, $0x1;
	s5 =	sadd.s32 s6, s19  }
0x9e: {  	s9 =	simm.s32 $0x0;
	s20 =	sshll.u32 s7, $0x1;
	s7 =	sadd.s32 s21, s5  }
0x9f: {  	[timem:s9], [sflag:s22] =	dma.local [hbm:s7], s20  }
0xa0: {  	_ =	swait.ge [sflag:s22], s20  }
0xa1: {  	s6 =	ssub.s32 $0x0, s20;
	[sflag:s22] =	ssyncset.done $0x0  }
0xa2: {  	[sflag:s22] =	ssyncadd.s32 s6;
	_ =	sdelay $0x1  }
0xa3: {  	s23 =	simm.s32 $0x1B8B  }
0xa4: {  	_ =	swait.ge [sflag:s23], $0x1  }
0xa5: {  	[sflag:s23] =	ssyncset.done $0x0  }
0xa6: {  	s25 =	simm.s32 $0x1B8E;
	s24 =	sld [smem:$0x3FFE];
	[sflag:s23] =	ssyncadd.s32 $0xFFFFFFFF  }
0xa7: {  	s26 =	simm.s32 $execute0_lowered;
	[smem:$0x3FD2] =	sst s25  }
0xa8: {  	s7 =	sshll.u32 s26, $0x1;
	_ =	strace $0x80000049;
	[dreg:$0x1] =	wrdreg $0xFFFFFFFF  }
0xa9: {  	s28 =	simm.s32 $_size_execute0_lowered;
	s5 =	sadd.s32 s5, s7;
	[dreg:$0x0] =	wrdreg $0x0  }
0xaa: {  	s7 =	sshll.u32 s28, $0x1;
	[dreg:$0x2] =	wrdreg s5  }
0xab: {  	[dreg:$0x3] =	wrdreg s7  }
0xac: {  	[dreg:$0x4] =	wrdreg $0xC0  }
0xad: {  	_ =	task [dreg:s9], $0x5FFFF  }
0xae: {  	[dreg:$0x1] =	wrdreg $0xFFFFFFFF  }
0xaf: {  	[dreg:$0x0] =	wrdreg $0x60  }
0xb0: {  	[dreg:$0x2] =	wrdreg s2  }
0xb1: {  	[dreg:$0x3] =	wrdreg s18  }
0xb2: {  	[dreg:$0x4] =	wrdreg s24  }
0xb3: {  	[dreg:$0x5] =	wrdreg s4  }
0xb4: {  	[dreg:$0x6] =	wrdreg $0x9  }
0xb5: {  	_ =	task.clear_ibuf [dreg:s9], $0x7FFFF;
	_ =	strace $0x90000049  }
0xb6: {  	s29 =	simm.s32 $0x9;
	_ =	strace $0x8000004B  }
0xb7: {  	_ =	swait.ge [sflag:s29], $0x1  }
0xb8: {  	[sflag:s29] =	ssyncadd.s32 $0xFFFFFFFF  }
0xb9: {  	_ =	strace $0x9000004B  }
0xba: {  	_ =	sfence  }
0xbb: {  	s30 =	sld [smem:$0x0];
	_ =	sdelay $0x2  }
0xbc: {  	s31 =	sshll.u32 s1, $0xD;
	s1 =	sshrl.u32 s1, $0x2  }
0xbd: {  	s3 =	sand.u32 $0x4000, s31;
	s1 =	sadd.s32 s1, s30  }
0xbe: {  	s0 =	sor.u32 s3, s0;
	s1 =	sshll.u32 s1, $0x11  }
0xbf: {  	s0 =	sor.u32 s1, s0  }
0xc0: {  	s0 =	sadd.s32 $0x8F2B, s0  }
0xc1: {  	[sflag:s0] =	ssyncadd.remote.s32 $0x1  }
0xc2: {  	_ =	sfence.sel $0xFFFF  }
0xc3: {  	[dreg:$0x0] =	wrdreg $0xFFFFFFFF;
	(pc) =	sbr.abs _section_cstart, $3  }
0xc4: {  	[dreg:$0x1] =	wrdreg $0xFFFFFFFF  }
0xc5: {  	_ =	task.clear_ibuf [dreg:s9], $0x2FFFF;
	_ =	strace $0x9FFFFFFF  }
0xc6: {  	(tm) =	ssettm $0x7FFFFFFF  }
0xc7: {  	_ =	shalt  }
tec
execute0_lowered:
.L_overlay_start_1:
0x0: {  	(tag) =	ssettag $0x1  }
0x1: {  	s4 =	rddreg [dreg:$0x0]  }
0x2: {  	s1 =	rddreg [dreg:$0x1]  }
0x3: {  	s5 =	rddreg [dreg:$0x2]  }
0x4: {  	s6 =	rddreg [dreg:$0x3]  }
0x5: {  	s0 =	rddreg [dreg:$0x4];
	s7 =	srdreg.scid  }
0x6: {  	s2 =	stileid.u32;
	s3 =	simm.s32 $0x0;
	s30 =	simm.s32 $0x5280  }
0x7: {  	s10 =	simm.s32 $0x6280;
	s11 =	simm.s32 $0x7280;
	[smem:$0x7FF] =	sst s3  }
0x8: {  	s12 =	simm.s32 $0x8280;
	_ =	strace $0x8000004A;
	[dreg:$0x5] =	wrdreg s30  }
0x9: {  	s13 =	simm.s32 $0x9280;
	s14 =	simm.s32 $0xA280;
	[dreg:$0x6] =	wrdreg s10  }
0xa: {  	s31 =	simm.s32 $0xB280;
	s15 =	simm.s32 $0x0;
	[dreg:$0x7] =	wrdreg s11  }
0xb: {  	v0 =	vlaneseq.u32;
	s7 =	sand.u32 $0x1, s7;
	s8 =	sshll.u32 s2, $0x1;
	[dreg:$0x8] =	wrdreg s12  }
0xc: {  	v1 =	vmul.u32 $0x80, v0;
	s8 =	sor.u32 s7, s8;
	s7 =	ssub.s32 $0x2, s7;
	[dreg:$0x9] =	wrdreg s13  }
0xd: {  	s10 =	simm.s32 $0x1;
	s11 =	simm.s32 $0x400;
	[dreg:$0xa] =	wrdreg s14  }
0xe: {  	s12 =	simm.s32 $0x7A1400;
	s13 =	simm.s32 $0x4280;
	[dreg:$0xb] =	wrdreg s31;
	v2 =	vor.u32 $0x800, v1;
	v3 =	vor.u32 $0x1000, v1;
	v4 =	vor.u32 $0x1800, v1  }
0xf: {  	s14 =	simm.s32 $0xC280;
	s9 =	sshll.u32 s8, $0xB;
	s29 =	sshrl.u32 s7, $0x1;
	v5 =	vor.u32 $0x2000, v1;
	v6 =	vor.u32 $0x2800, v1;
	v7 =	vor.u32 $0x3000, v1  }
0x10: {  	s8 =	sshll.u32 s8, $0x6;
	v8 =	vor.u32 $0x3800, v1;
	v9 =	vor.u32 $0x4000, v1;
	v10 =	vor.u32 $0x4800, v1;
	s5 =	sadd.s32 s9, s5;
	s7 =	ssub.s32 s7, s29  }
0x11: {  	v11 =	vor.u32 $0x5000, v1;
	v12 =	vor.u32 $0x5800, v1;
	v13 =	vor.u32 $0x6000, v1;
	s4 =	sadd.s32 s4, s8;
	s6 =	sadd.s32 s6, s8;
	s8 =	simm.s32 $0x2  }
0x12: {  	v14 =	vor.u32 $0x6800, v1;
	v15 =	vor.u32 $0x7000, v1;
	v16 =	vor.u32 $0x7800, v1;
	s9 =	simm.s32 $0x280;
	s5 =	sadd.s32 $0x800, s5;
	s7 =	smax.u32 s7, $0x1  }
.LBB2_1:
0x13: {  	[tilespmem:s3], [sflag:$0x2] =	stream.linear.gather [hbm4b:s4+s3], $0x200, $0x38;
	[tilespmem:$0xC480] =	vst v63  }
0x14: {  	_ =	swait.ge [sflag:s8], $0x200  }
0x15: {  	[sflag:s8] =	ssyncset.done $0x0  }
0x16: {  	[sflag:s8] =	ssyncadd.s32 $0xFFFFFE00  }
0x17: {  	[tilespmem:s9], [sflag:$0x2] =	stream.linear.gather [hbm4b:s5+s3], $0x4000, $0x38;
	[tilespmem:$0xC480] =	vst v63  }
0x18: {  	_ =	swait.ge [sflag:s8], $0x4000  }
0x19: {  	s16 =	simm.s32 $0x300;
	s17 =	simm.s32 $0x0;
	[sflag:s8] =	ssyncset.done $0x0  }
0x1a: {  	v17 =	vimm.f32 $0.0e+00;
	s18 =	simm.s32 $0x0;
	s19 =	simm.s32 $0x0;
	[sflag:s8] =	ssyncadd.s32 $0xFFFFC000  }
.LBB2_2:
0x1b: {  	v18 =	vld [tilespmem:s17+$0x0];
	_ =	sdelay $0x4  }
0x1c: {  	(v2sf) =	vpush v18, $0x0;
	_ =	sdelay $0xd  }
0x1d: {  	(v2sf) =	vpush v18, $0x1  }
0x1e: {  	s20 =	spop (v2sf)  }
0x1f: {  	s21 =	sshra.s32 s20, $0x1F  }
0x20: {  	s21 =	sshrl.u32 s21, $0x19  }
0x21: {  	s21 =	sadd.s32 s21, s20  }
0x22: {  	s22 =	sand.u32 $0xFFFFFF80, s21  }
0x23: {  	p0 =	slt.s32 s20, $0x1;
	p1 =	sne.s32 s20, s22  }
0x24: {  	p0 =	por !p0, !p1  }
0x25: {  	s22 =	simm.s32 $0x1;
	p0 =	por !p0, !p0  }
0x26: {  	s21 =	sshrl.u32 s21, $0x7;
	s22 =	simm.s32 @!p0 $0x0  }
0x27: {  	s21 =	ssub.s32 s21, s22  }
0x28: {  	s21 =	sshll.u32 s21, $0x7  }
0x29: {  	s21 =	sand.u32 $0x1FFFFF80, s21  }
0x2a: {  	s21 =	sadd.s32 s1, s21  }
0x2b: {  	(v2sf) =	vpush v18, $0x2;
	[tilespmem:s13], [sflag:$0x1] =	stream.strided.gather [hbm4b:s21+s11], $0x1000, s12, s11, $0x38;
	[tilespmem:$0xC480] =	vst v63  }
0x2c: {  	s21 =	spop (v2sf)  }
0x2d: {  	s23 =	sshra.s32 s21, $0x1F  }
0x2e: {  	s22 =	sshrl.u32 s23, $0x19  }
0x2f: {  	s22 =	sadd.s32 s22, s21  }
0x30: {  	s23 =	sand.u32 $0xFFFFFF80, s22  }
0x31: {  	p5 =	slt.s32 s21, $0x1;
	p6 =	sne.s32 s21, s23  }
0x32: {  	p0 =	por !p5, !p6  }
0x33: {  	s23 =	simm.s32 $0x1;
	p0 =	por !p0, !p0  }
0x34: {  	s22 =	sshrl.u32 s22, $0x7;
	s23 =	simm.s32 @!p0 $0x0  }
0x35: {  	s22 =	ssub.s32 s22, s23  }
0x36: {  	s22 =	sshll.u32 s22, $0x7  }
0x37: {  	s22 =	sand.u32 $0x1FFFFF80, s22  }
0x38: {  	s24 =	rddreg [dreg:$0x5];
	s22 =	sadd.s32 s1, s22  }
0x39: {  	(v2sf) =	vpush v18, $0x3;
	[tilespmem:s24], [sflag:$0x1] =	stream.strided.gather [hbm4b:s22+s11], $0x1000, s12, s11, $0x38;
	[tilespmem:$0xC480] =	vst v63  }
0x3a: {  	s22 =	spop (v2sf)  }
0x3b: {  	s25 =	sshra.s32 s22, $0x1F  }
0x3c: {  	s23 =	sshrl.u32 s25, $0x19  }
0x3d: {  	s23 =	sadd.s32 s23, s22  }
0x3e: {  	s24 =	sand.u32 $0xFFFFFF80, s23  }
0x3f: {  	p1 =	slt.s32 s22, $0x1;
	p2 =	sne.s32 s22, s24  }
0x40: {  	p0 =	por !p1, !p2  }
0x41: {  	s24 =	simm.s32 $0x1;
	p0 =	por !p0, !p0  }
0x42: {  	s23 =	sshrl.u32 s23, $0x7;
	s24 =	simm.s32 @!p0 $0x0  }
0x43: {  	s23 =	ssub.s32 s23, s24  }
0x44: {  	s23 =	sshll.u32 s23, $0x7  }
0x45: {  	s23 =	sand.u32 $0x1FFFFF80, s23  }
0x46: {  	s26 =	rddreg [dreg:$0x6];
	s23 =	sadd.s32 s1, s23  }
0x47: {  	(v2sf) =	vpush v18, $0x4;
	[tilespmem:s26], [sflag:$0x1] =	stream.strided.gather [hbm4b:s23+s11], $0x1000, s12, s11, $0x38;
	[tilespmem:$0xC480] =	vst v63  }
0x48: {  	s23 =	spop (v2sf)  }
0x49: {  	s28 =	sshra.s32 s23, $0x1F  }
0x4a: {  	s24 =	sshrl.u32 s28, $0x19  }
0x4b: {  	s24 =	sadd.s32 s24, s23  }
0x4c: {  	s25 =	sand.u32 $0xFFFFFF80, s24  }
0x4d: {  	p3 =	slt.s32 s23, $0x1;
	p4 =	sne.s32 s23, s25  }
0x4e: {  	p0 =	por !p3, !p4  }
0x4f: {  	s25 =	simm.s32 $0x1;
	p0 =	por !p0, !p0  }
0x50: {  	s24 =	sshrl.u32 s24, $0x7;
	s25 =	simm.s32 @!p0 $0x0  }
0x51: {  	s24 =	ssub.s32 s24, s25  }
0x52: {  	(v2sf) =	vpush v18, $0x5;
	s24 =	sshll.u32 s24, $0x7  }
0x53: {  	s24 =	sand.u32 $0x1FFFFF80, s24  }
0x54: {  	s29 =	rddreg [dreg:$0x7];
	s24 =	sadd.s32 s1, s24  }
0x55: {  	[tilespmem:s29], [sflag:$0x1] =	stream.strided.gather [hbm4b:s24+s11], $0x1000, s12, s11, $0x38;
	[tilespmem:$0xC480] =	vst v63  }
0x56: {  	s24 =	spop (v2sf)  }
0x57: {  	s30 =	sshra.s32 s24, $0x1F  }
0x58: {  	s25 =	sshrl.u32 s30, $0x19  }
0x59: {  	s25 =	sadd.s32 s25, s24  }
0x5a: {  	s26 =	sand.u32 $0xFFFFFF80, s25  }
0x5b: {  	p5 =	slt.s32 s24, $0x1;
	p6 =	sne.s32 s24, s26  }
0x5c: {  	p0 =	por !p5, !p6  }
0x5d: {  	s26 =	simm.s32 $0x1;
	p0 =	por !p0, !p0  }
0x5e: {  	s25 =	sshrl.u32 s25, $0x7;
	s26 =	simm.s32 @!p0 $0x0  }
0x5f: {  	(v2sf) =	vpush v18, $0x6;
	s25 =	ssub.s32 s25, s26  }
0x60: {  	s25 =	sshll.u32 s25, $0x7  }
0x61: {  	s28 =	sand.u32 $0x1FFFFF80, s25;
	s25 =	spop (v2sf)  }
0x62: {  	s31 =	rddreg [dreg:$0x8];
	s28 =	sadd.s32 s1, s28;
	s29 =	sshra.s32 s25, $0x1F  }
0x63: {  	[tilespmem:s31], [sflag:$0x1] =	stream.strided.gather [hbm4b:s28+s11], $0x1000, s12, s11, $0x38;
	[tilespmem:$0xC480] =	vst v63  }
0x64: {  	s26 =	sshrl.u32 s29, $0x19  }
0x65: {  	s26 =	sadd.s32 s26, s25  }
0x66: {  	s30 =	sand.u32 $0xFFFFFF80, s26  }
0x67: {  	p1 =	slt.s32 s25, $0x1;
	p2 =	sne.s32 s25, s30  }
0x68: {  	p0 =	por !p1, !p2  }
0x69: {  	s28 =	simm.s32 $0x1;
	p0 =	por !p0, !p0  }
0x6a: {  	s26 =	sshrl.u32 s26, $0x7;
	s28 =	simm.s32 @!p0 $0x0  }
0x6b: {  	s26 =	ssub.s32 s26, s28  }
0x6c: {  	s26 =	sshll.u32 s26, $0x7  }
0x6d: {  	s26 =	sand.u32 $0x1FFFFF80, s26  }
0x6e: {  	s31 =	rddreg [dreg:$0x9];
	s29 =	sadd.s32 s1, s26;
	s26 =	spop (v2sf);
	(v2sf) =	vpush v18, $0x7  }
0x6f: {  	[tilespmem:s31], [sflag:$0x1] =	stream.strided.gather [hbm4b:s29+s11], $0x1000, s12, s11, $0x38;
	[tilespmem:$0xC480] =	vst v63  }
0x70: {  	s29 =	sshra.s32 s26, $0x1F  }
0x71: {  	s28 =	sshrl.u32 s29, $0x19  }
0x72: {  	s28 =	sadd.s32 s28, s26  }
0x73: {  	s30 =	sand.u32 $0xFFFFFF80, s28  }
0x74: {  	p3 =	slt.s32 s26, $0x1;
	p4 =	sne.s32 s26, s30  }
0x75: {  	p0 =	por !p3, !p4  }
0x76: {  	s29 =	simm.s32 $0x1;
	p0 =	por !p0, !p0  }
0x77: {  	s28 =	sshrl.u32 s28, $0x7;
	s29 =	simm.s32 @!p0 $0x0  }
0x78: {  	s28 =	ssub.s32 s28, s29  }
0x79: {  	s28 =	sshll.u32 s28, $0x7  }
0x7a: {  	s28 =	sand.u32 $0x1FFFFF80, s28  }
0x7b: {  	s31 =	rddreg [dreg:$0xa];
	s28 =	sadd.s32 s1, s28  }
0x7c: {  	[tilespmem:s31], [sflag:$0x1] =	stream.strided.gather [hbm4b:s28+s11], $0x1000, s12, s11, $0x38;
	[tilespmem:$0xC480] =	vst v63  }
0x7d: {  	s28 =	spop (v2sf)  }
0x7e: {  	s30 =	sshra.s32 s28, $0x1F  }
0x7f: {  	s29 =	sshrl.u32 s30, $0x19  }
0x80: {  	s29 =	sadd.s32 s29, s28  }
0x81: {  	s30 =	sand.u32 $0xFFFFFF80, s29  }
0x82: {  	p5 =	slt.s32 s28, $0x1;
	p6 =	sne.s32 s28, s30  }
0x83: {  	p0 =	por !p5, !p6  }
0x84: {  	s30 =	simm.s32 $0x1;
	p0 =	por !p0, !p0  }
0x85: {  	s29 =	sshrl.u32 s29, $0x7;
	s30 =	simm.s32 @!p0 $0x0  }
0x86: {  	s29 =	ssub.s32 s29, s30  }
0x87: {  	s29 =	sshll.u32 s29, $0x7  }
0x88: {  	s29 =	sand.u32 $0x1FFFFF80, s29  }
0x89: {  	s31 =	rddreg [dreg:$0xb];
	s29 =	sadd.s32 s1, s29  }
0x8a: {  	[tilespmem:s31], [sflag:$0x1] =	stream.strided.gather [hbm4b:s29+s11], $0x1000, s12, s11, $0x38;
	[tilespmem:$0xC480] =	vst v63  }
0x8b: {  	_ =	swait.ge [sflag:s10], $0x1000  }
0x8c: {  	[sflag:s10] =	ssyncset.done $0x0  }
0x8d: {  	[sflag:s10] =	ssyncadd.s32 $0xFFFFF000  }
0x8e: {  	_ =	swait.ge [sflag:s10], $0x1000  }
0x8f: {  	[sflag:s10] =	ssyncset.done $0x0  }
0x90: {  	[sflag:s10] =	ssyncadd.s32 $0xFFFFF000  }
0x91: {  	_ =	swait.ge [sflag:s10], $0x1000  }
0x92: {  	[sflag:s10] =	ssyncset.done $0x0  }
0x93: {  	[sflag:s10] =	ssyncadd.s32 $0xFFFFF000  }
0x94: {  	_ =	swait.ge [sflag:s10], $0x1000  }
0x95: {  	[sflag:s10] =	ssyncset.done $0x0  }
0x96: {  	[sflag:s10] =	ssyncadd.s32 $0xFFFFF000  }
0x97: {  	_ =	swait.ge [sflag:s10], $0x1000  }
0x98: {  	[sflag:s10] =	ssyncset.done $0x0  }
0x99: {  	[sflag:s10] =	ssyncadd.s32 $0xFFFFF000  }
0x9a: {  	_ =	swait.ge [sflag:s10], $0x1000  }
0x9b: {  	[sflag:s10] =	ssyncset.done $0x0  }
0x9c: {  	[sflag:s10] =	ssyncadd.s32 $0xFFFFF000  }
0x9d: {  	s20 =	sand.u32 $0x7F, s20;
	_ =	swait.ge [sflag:s10], $0x1000  }
0x9e: {  	v18 =	vor.u32 s20, v1;
	[sflag:s10] =	ssyncset.done $0x0  }
0x9f: {  	v19 =	vor.u32 s20, v2;
	[sflag:s10] =	ssyncadd.s32 $0xFFFFF000  }
0xa0: {  	_ =	swait.ge [sflag:s10], $0x1000  }
0xa1: {  	s21 =	sand.u32 $0x7F, s21;
	[sflag:s10] =	ssyncset.done $0x0  }
0xa2: {  	v20 =	vor.u32 s21, v3;
	[sflag:s10] =	ssyncadd.s32 $0xFFFFF000  }
0xa3: {  	v21 =	vor.u32 s21, v4;
	v18 =	vld.idx.msk [tilespmem:v18+s13+$0x0], $0xffff  }
0xa4: {  	v19 =	vld.idx.msk [tilespmem:v19+s13+$0x0], $0xffff  }
0xa5: {  	s22 =	sand.u32 $0x7F, s22;
	v22 =	vld [tilespmem:s16+$0xFFFFFF80]  }
0xa6: {  	v24 =	vor.u32 s22, v5;
	v23 =	vld [tilespmem:s16+$0xFFFFFF90]  }
0xa7: {  	v25 =	vor.u32 s22, v6;
	v20 =	vld.idx.msk [tilespmem:v20+s13+$0x0], $0xffff  }
0xa8: {  	v21 =	vld.idx.msk [tilespmem:v21+s13+$0x0], $0xffff  }
0xa9: {  	s29 =	sand.u32 $0x7F, s23;
	v26 =	vld [tilespmem:s16+$0xFFFFFFA0]  }
0xaa: {  	v28 =	vor.u32 s29, v7;
	v27 =	vld [tilespmem:s16+$0xFFFFFFB0]  }
0xab: {  	v29 =	vor.u32 s29, v8;
	v24 =	vld.idx.msk [tilespmem:v24+s13+$0x0], $0xffff  }
0xac: {  	v25 =	vld.idx.msk [tilespmem:v25+s13+$0x0], $0xffff  }
0xad: {  	s30 =	sand.u32 $0x7F, s24;
	v30 =	vld [tilespmem:s16+$0xFFFFFFC0]  }
0xae: {  	v32 =	vor.u32 s30, v9;
	v31 =	vld [tilespmem:s16+$0xFFFFFFD0]  }
0xaf: {  	v33 =	vor.u32 s30, v10;
	v28 =	vld.idx.msk [tilespmem:v28+s13+$0x0], $0xffff  }
0xb0: {  	v29 =	vld.idx.msk [tilespmem:v29+s13+$0x0], $0xffff  }
0xb1: {  	s31 =	sand.u32 $0x7F, s25;
	v34 =	vld [tilespmem:s16+$0xFFFFFFE0]  }
0xb2: {  	v36 =	vor.u32 s31, v11;
	v35 =	vld [tilespmem:s16+$0xFFFFFFF0]  }
0xb3: {  	v37 =	vor.u32 s31, v12;
	v32 =	vld.idx.msk [tilespmem:v32+s13+$0x0], $0xffff  }
0xb4: {  	v33 =	vld.idx.msk [tilespmem:v33+s13+$0x0], $0xffff  }
0xb5: {  	s21 =	sand.u32 $0x7F, s26;
	v38 =	vld [tilespmem:s16+$0x0]  }
0xb6: {  	v40 =	vor.u32 s21, v13;
	v39 =	vld [tilespmem:s16+$0x10]  }
0xb7: {  	v41 =	vor.u32 s21, v14;
	v36 =	vld.idx.msk [tilespmem:v36+s13+$0x0], $0xffff  }
0xb8: {  	s22 =	sand.u32 $0x7F, s28;
	v37 =	vld.idx.msk [tilespmem:v37+s13+$0x0], $0xffff  }
0xb9: {  	v45 =	vor.u32 s22, v16;
	v42 =	vld [tilespmem:s16+$0x20]  }
0xba: {  	v44 =	vor.u32 s22, v15;
	v43 =	vld [tilespmem:s16+$0x30]  }
0xbb: {  	v40 =	vld.idx.msk [tilespmem:v40+s13+$0x0], $0xffff  }
0xbc: {  	v41 =	vld.idx.msk [tilespmem:v41+s13+$0x0], $0xffff;
	v18 =	vmul.f32 v22, v18;
	v19 =	vmul.f32 v23, v19  }
0xbd: {  	v62 =	vld [tilespmem:s16+$0x40]  }
0xbe: {  	v46 =	vld.idx.msk [tilespmem:v45+s13+$0x0], $0xffff;
	v20 =	vmul.f32 v26, v20;
	v21 =	vmul.f32 v27, v21;
	v18 =	vadd.f32 v19, v18  }
0xbf: {  	v30 =	vmul.f32 v30, v24;
	v19 =	vld.idx.msk [tilespmem:v44+s13+$0x0], $0xffff;
	v44 =	vmul.f32 v31, v25  }
0xc0: {  	v48 =	vld [tilespmem:s16+$0x60];
	v47 =	vmul.f32 v35, v29;
	v20 =	vadd.f32 v21, v20;
	(xrf2) =	vadd.scan.msk.f32 $0xffff, v18;
	v18 =	vmul.f32 v34, v28  }
0xc1: {  	v50 =	vld [tilespmem:s16+$0x70];
	v49 =	vadd.f32 v44, v30  }
0xc2: {  	v63 =	vld [tilespmem:s16+$0x50];
	v51 =	vmul.f32 v38, v32;
	v52 =	vmul.f32 v39, v33;
	(xrf2) =	vadd.scan.msk.f32 $0xffff, v20;
	v18 =	vadd.f32 v47, v18  }
0xc3: {  	(xrf2) =	vadd.scan.msk.f32 $0xffff, v49  }
0xc4: {  	(xrf2) =	vadd.scan.msk.f32 $0xffff, v18;
	v18 =	vadd.f32 v52, v51  }
0xc5: {  	v53 =	vmul.f32 v42, v36;
	v54 =	vmul.f32 v43, v37  }
0xc6: {  	(xrf2) =	vadd.scan.msk.f32 $0xffff, v18;
	v18 =	vmul.f32 v48, v19;
	v19 =	vmul.f32 v50, v46  }
0xc7: {  	v22 =	vmul.f32 v62, v40;
	v23 =	vmul.f32 v63, v41;
	v20 =	vadd.f32 v54, v53  }
0xc8: {  	v18 =	vadd.f32 v19, v18  }
0xc9: {  	v55 =	vadd.f32 v23, v22;
	(xrf2) =	vadd.scan.msk.f32 $0xffff, v20  }
0xca: {  	s23 =	sand.u32 $0x1, s19  }
0xcb: {  	s24 =	sshll.u32 s23, $0x3;
	(xrf2) =	vadd.scan.msk.f32 $0xffff, v55;
	v19, _, _ =	vpop (xrf2)  }
0xcc: {  	v56 =	vmov s24;
	s25 =	sor.u32 $0x1, s24;
	(xrf2) =	vadd.scan.msk.f32 $0xffff, v18;
	v19 =	vbroadcast v19, $0xF;
	v18, _, _ =	vpop (xrf2)  }
0xcd: {  	vm0 =	veq.s32 v56, v0;
	v57 =	vmov s25;
	v18 =	vbroadcast v18, $0xF  }
0xce: {  	s26 =	sor.u32 $0x2, s24;
	vm9 =	veq.s32 v57, v0;
	v17 =	vsel vm0, v19, v17  }
0xcf: {  	s28 =	sor.u32 $0x3, s24;
	v58, _, _ =	vpop (xrf2);
	v17 =	vsel vm9, v18, v17;
	v18 =	vmov s26  }
0xd0: {  	v59 =	vbroadcast v58, $0xF;
	v19, _, _ =	vpop (xrf2);
	vm10 =	veq.s32 v18, v0;
	v18 =	vmov s28  }
0xd1: {  	v19 =	vbroadcast v19, $0xF  }
0xd2: {  	s29 =	sor.u32 $0x4, s24;
	v60, _, _ =	vpop (xrf2);
	v17 =	vsel vm10, v59, v17;
	vm11 =	veq.s32 v18, v0  }
0xd3: {  	p0 =	seq.s32 s23, $0x0;
	s30 =	sor.u32 $0x5, s24;
	v61 =	vbroadcast v60, $0xF;
	v17 =	vsel vm11, v19, v17;
	v19 =	vmov s29;
	v18, _, _ =	vpop (xrf2)  }
0xd4: {  	s20 =	sand.u32 @!p0 $0x1F0, s18;
	s18 =	sadd.s32 $0x8, s18;
	vm12 =	veq.s32 v19, v0;
	v19 =	vmov s30;
	v18 =	vbroadcast v18, $0xF  }
0xd5: {  	s21 =	sor.u32 $0x6, s24;
	p1 =	sne.s32 s18, $0x200;
	v62, _, _ =	vpop (xrf2);
	v17 =	vsel vm12, v61, v17;
	vm13 =	veq.s32 v19, v0  }
.Ltmp0:
0xd6: {  	s31 =	sshllo.u32 s23, $0x3;
	v19 =	vbroadcast v62, $0xF;
	v63, _, _ =	vpop (xrf2);
	v17 =	vsel vm13, v18, v17;
	v18 =	vmov s21;
	(pc) =	sbr.rel @p1 .LBB2_2-.Ltmp0, $4  }
0xd7: {  	v20 =	vbroadcast v63, $0xF;
	vm14 =	veq.s32 v18, v0;
	v18 =	vmov s31  }
0xd8: {  	v17 =	vsel vm14, v19, v17;
	vm15 =	veq.s32 v18, v0  }
0xd9: {  	v17 =	vsel vm15, v20, v17  }
0xda: {  	s17 =	sadd.s32 $0x8, s17;
	s19 =	sadd.s32 $0x1, s19;
	s16 =	sadd.s32 $0x100, s16;
	[tilespmem:s20+$0xC280] =	vst @!p0 v17  }
0xdb: {  	s15 =	sadd.s32 $0x1, s15  }
0xdc: {  	p0 =	sne.s32 s15, s7  }
.Ltmp1:
0xdd: {  	_ = 	snop;
	(pc) =	sbr.rel @p0 .LBB2_1-.Ltmp1, $4  }
0xde: {  	[hbm4b:s6+s3] =	stream.linear.scatter [tilespmem:s14], [sflag:$0x2], $0x200, $0x38;
	[tilespmem:$0xC480] =	vst v63  }
0xdf: {  	_ =	swait.ge [sflag:s8], $0x200  }
0xe0: {  	[sflag:s8] =	ssyncset.done $0x0  }
0xe1: {  	[sflag:s8] =	ssyncadd.s32 $0xFFFFFE00  }
0xe2: {  	_ =	sfence.sel $0x180000  }
0xe3: {  	[bflag:$0x0] =	sbarrier.arrive $0xFFFF  }
0xe4: {  	p0 =	sne.s32 s2, $0x0;
	_ =	strace $0x9000004A  }
0xe5: {  	s0 =	sadd.s32 @!p0 $0x100000, s0;
	[bflag:$0x2] =	sbarrier.arrive $0xFFFF  }
0xe6: {  	[sflag:s0] =	ssyncadd.tile.s32 @!p0 $0x1;
	_ =	shalt  }
.Lfunc_end2:
_tile_overlayer_lowered:
.L_overlay_start_2:
0xe7: {  	(tag) =	ssettag $0x2  }
0xe8: {  	s0 =	rddreg [dreg:$0x0];
	s2 =	stileid.u32  }
0xe9: {  	s1 =	rddreg [dreg:$0x1];
	p0 =	sne.s32 s2, $0x0  }
0xea: {  	s3 =	rddreg [dreg:$0x2];
	[bflag:$0x3] =	sbarrier.arrive $0xFFFF;
	s2 =	simm.s32 @!p0 $0x1C02  }
0xeb: {  	[timem:s3], [sflag:s2] =	dma.local @!p0 [hbm:s0], s1  }
0xec: {  	s0 =	simm.s32 @!p0 $0x2  }
0xed: {  	_ =	swait.ge @!p0 [sflag:s0], s1  }
0xee: {  	s1 =	ssub.s32 @!p0 $0x0, s1;
	[sflag:s0] =	ssyncset.done @!p0 $0x0  }
0xef: {  	[sflag:s0] =	ssyncadd.s32 @!p0 s1  }
0xf0: {  	[bflag:$0x3] =	sbarrier.arrive $0xFFFF  }
0xf1: {  	_ =	shalt  }

</sc_bundles>
